<compile_context>
chip_gen: v7x
topology: tpu7x:2x2x1
jax: 0.10.2.dev20260603
libtpu: 0.0.44.dev20260713+nightly
codegen_flags: <defaults>
</compile_context>

<pallas_src>
import jax
import jax.numpy as jnp
from jax import lax
from jax.experimental import pallas as pl
from jax.experimental.pallas import tpu as pltpu
from jax.experimental.pallas import tpu_sc as plsc

B, C, N, K = 4, 64, 4096, 16
HID, OUT, G = 64, 128, 4

T1 = 512
T2 = 512
NEG = -3.0e38

EDGES = B * N * K
NC, NS = 2, 16
NW = NC * NS
E_PER_W = EDGES // NW
CH = 128
NCHUNK = E_PER_W // CH
NBUF = 4


NGRP = 8
GW = N // NGRP
GBITS = GW - 1
NCAND = 8
IMIN = -2147483648


def _knn_proj_body(f_ref, ft_ref, w1t_ref, b1_ref, idx_ref, u_ref, v_ref):
    b = pl.program_id(0)
    i = pl.program_id(1)
    f = f_ref[0]
    ftc = ft_ref[0]
    cc = (((0,), (0,)), ((), ()))
    inner = lax.dot_general(ftc, f, cc,
                            preferred_element_type=jnp.float32)
    xx = jnp.sum(f * f, axis=0, keepdims=True)
    xxt = jnp.sum(ftc * ftc, axis=0, keepdims=True).T
    dist = 2.0 * inner - xx - xxt

    lane = lax.broadcasted_iota(jnp.int32, (T1, N), 1)
    row = lax.broadcasted_iota(jnp.int32, (T1, 1), 0) + i * T1
    dm = jnp.where(lane == row, NEG, dist)
    d2 = jnp.max(dm, axis=1, keepdims=True)
    dp = (dm - d2) - 1e-12
    bits = lax.bitcast_convert_type(dp, jnp.int32)
    key = lax.bitcast_convert_type((bits & ~GBITS) | (lane & GBITS),
                                   jnp.float32)

    cand_k = []
    for g in range(NGRP):
        kg = key[:, g * GW:(g + 1) * GW]
        for k in range(NCAND):
            m = jnp.max(kg, axis=1, keepdims=True)
            cand_k.append(m)
            if k < NCAND - 1:
                kg = jnp.where(kg == m, NEG, kg)

    base = b * N
    ck = jnp.concatenate(cand_k, axis=1)
    ci = lax.broadcasted_iota(jnp.int32, (T1, NGRP * NCAND), 1)
    cx = ((ci >> 3) * GW).astype(jnp.float32)
    cols = [(row + base).astype(jnp.float32)]
    for k in range(K - 1):
        m = jnp.max(ck, axis=1, keepdims=True)
        eq = ck == m
        goff = jnp.max(jnp.where(eq, cx, -1.0), axis=1, keepdims=True)
        loc = lax.bitcast_convert_type(m, jnp.int32) & GBITS
        cols.append(goff + (loc + base).astype(jnp.float32))
        if k < K - 2:
            ck = jnp.where(eq, NEG, ck)
    idx_ref[...] = jnp.concatenate(cols, axis=1).astype(jnp.int32)

    w1t = w1t_ref[...]
    w1at = w1t[:C]
    w1bt = w1t[C:]
    u_ref[...] = lax.dot_general(ftc, w1at, cc,
                                 preferred_element_type=jnp.float32)
    v_ref[...] = (lax.dot_general(ftc, w1bt - w1at, cc,
                                  preferred_element_type=jnp.float32)
                  + b1_ref[...])


def _gather_body(u_hbm, idx_hbm, out_hbm, idx_v, bufs, sems):
    wid = lax.axis_index("s") * NC + lax.axis_index("c")
    base = wid * E_PER_W
    pltpu.sync_copy(idx_hbm.at[wid], idx_v)

    for j in range(NBUF):
        pltpu.async_copy(u_hbm.at[idx_v.at[j]], bufs[j], sems[j])

    @pl.loop(0, NCHUNK, step=NBUF)
    def _(i):
        for j in range(NBUF):
            pltpu.make_async_copy(u_hbm.at[idx_v.at[j]], bufs[j], sems[j]).wait()
            pltpu.sync_copy(bufs[j], out_hbm.at[pl.ds(base + (i + j) * CH, CH)])
            nxt = i + j + NBUF

            @pl.when(nxt < NCHUNK)
            def _():
                pltpu.async_copy(u_hbm.at[idx_v.at[nxt]], bufs[j], sems[j])


def _conv_body(g_ref, v_ref, w2t_ref, b2_ref, out_ref):
    g2 = g_ref[...]
    v = v_ref[...]
    kh = K // 2
    vr = jnp.broadcast_to(v[:, None, :], (T2, kh, HID)).reshape(T2 * kh, HID)
    out = None
    for h in range(2):
        he = jnp.maximum(g2[:, h * HID:(h + 1) * HID] + vr, 0.0)
        o = jnp.dot(he, w2t_ref[...],
                    preferred_element_type=jnp.float32)
        o = jnp.max(o.reshape(T2, kh, OUT), axis=1)
        out = o if out is None else jnp.maximum(out, o)
    out_ref[0] = out.T + b2_ref[...]


def _knn_proj(feats, featsT, w1t, b1):
    nrow = N // T1
    return pl.pallas_call(
        _knn_proj_body,
        grid=(B, nrow),
        in_specs=[
            pl.BlockSpec((1, C, N), lambda b, i: (b, 0, 0)),
            pl.BlockSpec((1, C, T1), lambda b, i: (b, 0, i)),
            pl.BlockSpec((2 * C, HID), lambda b, i: (0, 0)),
            pl.BlockSpec((1, HID), lambda b, i: (0, 0)),
        ],
        out_specs=[
            pl.BlockSpec((T1, K), lambda b, i: (b * nrow + i, 0)),
            pl.BlockSpec((T1, HID), lambda b, i: (b * nrow + i, 0)),
            pl.BlockSpec((T1, HID), lambda b, i: (b * nrow + i, 0)),
        ],
        out_shape=[
            jax.ShapeDtypeStruct((B * N, K), jnp.int32),
            jax.ShapeDtypeStruct((B * N, HID), jnp.float32),
            jax.ShapeDtypeStruct((B * N, HID), jnp.float32),
        ],
    )(feats, featsT, w1t, b1)


def _sc_gather(u, idx3):
    mesh = plsc.VectorSubcoreMesh(core_axis_name="c", subcore_axis_name="s")
    kfn = pl.kernel(
        _gather_body,
        out_type=jax.ShapeDtypeStruct((EDGES, HID), jnp.float32),
        mesh=mesh,
        scratch_types=[
            pltpu.VMEM((NCHUNK, CH), jnp.int32),
            [pltpu.VMEM((CH, HID), jnp.float32) for _ in range(NBUF)],
            [pltpu.SemaphoreType.DMA for _ in range(NBUF)],
        ],
        compiler_params=pltpu.CompilerParams(use_tc_tiling_on_sc=False),
    )
    return kfn(u, idx3)


def _conv(g, v, w2, b2):
    npt = N // T2
    return pl.pallas_call(
        _conv_body,
        grid=(B, npt),
        in_specs=[
            pl.BlockSpec((T2 * K // 2, 2 * HID), lambda b, i: (b * npt + i, 0)),
            pl.BlockSpec((T2, HID), lambda b, i: (b * npt + i, 0)),
            pl.BlockSpec((HID, OUT), lambda b, i: (0, 0)),
            pl.BlockSpec((OUT, 1), lambda b, i: (0, 0)),
        ],
        out_specs=pl.BlockSpec((1, OUT, T2), lambda b, i: (b, 0, i)),
        out_shape=jax.ShapeDtypeStruct((B, OUT, N), jnp.float32),
    )(g, v, w2, b2)


def kernel(feats, W1, b1, W2, b2):
    idx, u, v = _knn_proj(feats, feats, W1.T, b1.reshape(1, HID))
    idx3 = idx.reshape(NW, NCHUNK, CH)
    g = _sc_gather(u, idx3)
    g2 = g.reshape(EDGES // 2, 2 * HID)
    exp = _conv(g2, v, W2.T, b2.reshape(OUT, 1))
    return exp.reshape(B, OUT // G, G, N).transpose(0, 1, 3, 2)

# --- scband reference (transcript-rebuilt; emitter-appended) ---
"""Pipeline reference for scband-sub-point-conv-19430432047362 (READ-ONLY COPY).

The authoritative reference and input builder live on the scoring server;
editing this copy changes nothing except your own understanding.
"""

import jax, jax.numpy as jnp
import numpy as np

B, C, N, K = 4, 64, 4096, 16
HID, OUT, G = 64, 128, 4

def setup_inputs(seed: int = 0) -> dict:
    key = jax.random.key(seed)
    k1, k2, k3 = jax.random.split(key, 3)
    feats = jax.random.normal(k1, (B, C, N), dtype=jnp.float32)
    W1 = jax.random.normal(k2, (HID, 2 * C), dtype=jnp.float32) * 0.05
    b1 = jnp.zeros((HID,), dtype=jnp.float32)
    W2 = jax.random.normal(k3, (OUT, HID), dtype=jnp.float32) * 0.05
    b2 = jnp.zeros((OUT,), dtype=jnp.float32)
    return {"feats": feats, "W1": W1, "b1": b1, "W2": W2, "b2": b2}

def reference(feats, W1, b1, W2, b2):
    # EdgeConv.knn: pairwise squared-distance top-k (indices only, non-differentiable)
    f_sg = jax.lax.stop_gradient(feats)
    inner = -2.0 * jnp.matmul(jnp.transpose(f_sg, (0, 2, 1)), f_sg)  # [B,N,N]
    xx = jnp.sum(f_sg ** 2, axis=1, keepdims=True)  # [B,1,N]
    pairwise = -xx - inner - jnp.transpose(xx, (0, 2, 1))  # [B,N,N]
    knn_idx = jax.lax.top_k(pairwise, K)[1]  # [B,N,K]
    # index_points gather: knn_feats[b,c,i,j] = feats[b,c,knn_idx[b,i,j]]
    def gather_one(f, idx):  # f:[C,N], idx:[N,K]
        return f[:, idx]  # [C,N,K]
    knn_feats = jax.vmap(gather_one)(feats, knn_idx)  # [B,C,N,K]
    repeated = jnp.broadcast_to(feats[:, :, :, None], (B, C, N, K))
    graph_feats = jnp.concatenate([knn_feats - repeated, repeated], axis=1)  # [B,2C,N,K]
    # Conv2d(2C->HID,1) + ReLU + Conv2d(HID->OUT,1)
    h = jax.nn.relu(jnp.einsum('oc,bcnk->bonk', W1, graph_feats) + b1[None, :, None, None])
    out = jnp.einsum('oc,bcnk->bonk', W2, h) + b2[None, :, None, None]
    expanded = jnp.max(out, axis=-1)  # [B,OUT,N]
    # rearrange 'b (c g) n -> b c n g'
    res = expanded.reshape(B, OUT // G, G, N).transpose(0, 1, 3, 2)  # [B,OUT//G,N,G]
    return res

if __name__ == "__main__":
    import jax
    _d = setup_inputs()
    print(jax.jit(kernel)(*tuple(_d.values())))

</pallas_src>

<mosaic_0001>
#map = affine_map<(d0, d1) -> (0, 0)>
#map1 = affine_map<(d0, d1) -> (0, 0, 0)>
module attributes {stable_mosaic.version = 14 : i64} {
  func.func @_gather_body(%arg0: i32, %arg1: i32, %arg2: memref<16384x64xf32, #tpu.memory_space<hbm>>, %arg3: memref<32x64x128xi32, #tpu.memory_space<hbm>>, %arg4: memref<262144x64xf32, #tpu.memory_space<hbm>>, %arg5: memref<64x128xi32, #tpu.memory_space<vmem>>, %arg6: memref<128x64xf32, #tpu.memory_space<vmem>>, %arg7: memref<128x64xf32, #tpu.memory_space<vmem>>, %arg8: memref<128x64xf32, #tpu.memory_space<vmem>>, %arg9: memref<128x64xf32, #tpu.memory_space<vmem>>, %arg10: memref<!tpu.dma_semaphore, #tpu.memory_space<semaphore_mem>>, %arg11: memref<!tpu.dma_semaphore, #tpu.memory_space<semaphore_mem>>, %arg12: memref<!tpu.dma_semaphore, #tpu.memory_space<semaphore_mem>>, %arg13: memref<!tpu.dma_semaphore, #tpu.memory_space<semaphore_mem>>) attributes {dimension_semantics = [#tpu.dimension_semantics<core_parallel>, #tpu.dimension_semantics<subcore_parallel>], iteration_bounds = array<i64: 2, 16>, scalar_prefetch = 0 : i64, scratch_operands = 9 : i64, tpu.core_type = #tpu.core_type<sc_vector_subcore>, window_params = [{transform_indices = #map}, {transform_indices = #map1}, {transform_indices = #map}]} {
    %mul3A = arith.constant 2 : i32
    %mul3A_0 = arith.muli %arg1, %mul3A : i32
    %add3A = arith.addi %mul3A_0, %arg0 : i32
    %mul3A_1 = arith.constant 8192 : i32
    %mul3A_2 = arith.muli %add3A, %mul3A_1 : i32
    "tpu.region"() ({
      %run_scoped3A = tpu.sem_alloc : memref<!tpu.dma_semaphore, #tpu.memory_space<semaphore_mem>>
      %dma_start3A_34 = arith.constant 0 : i32
      %dma_start3A_35 = arith.constant 0 : i32
      %dma_start3A_36 = tpu.memref_slice %arg3[%add3A, %dma_start3A_34, %dma_start3A_35] : memref<32x64x128xi32, #tpu.memory_space<hbm>> -> memref<1x64x128xi32, #tpu.memory_space<hbm>>
      %dma_start3A_37 = tpu.memref_squeeze %dma_start3A_36 : memref<1x64x128xi32, #tpu.memory_space<hbm>> -> memref<64x128xi32, #tpu.memory_space<hbm>>
      %dma_start3A_38 = arith.constant 0 : i32
      %dma_start3A_39 = arith.constant 0 : i32
      %dma_start3A_40 = tpu.memref_slice %arg3[%add3A, %dma_start3A_38, %dma_start3A_39] : memref<32x64x128xi32, #tpu.memory_space<hbm>> -> memref<1x64x128xi32, #tpu.memory_space<hbm>>
      %dma_start3A_41 = tpu.memref_squeeze %dma_start3A_40 : memref<1x64x128xi32, #tpu.memory_space<hbm>> -> memref<64x128xi32, #tpu.memory_space<hbm>>
      tpu.enqueue_dma source(%dma_start3A_41 : memref<64x128xi32, #tpu.memory_space<hbm>>) target(%arg5 : memref<64x128xi32, #tpu.memory_space<vmem>>) target_semaphore(%run_scoped3A : memref<!tpu.dma_semaphore, #tpu.memory_space<semaphore_mem>>)
      %dma_wait3A = arith.constant 0 : i32
      %dma_wait3A_42 = arith.constant 0 : i32
      %dma_wait3A_43 = tpu.memref_slice %arg3[%add3A, %dma_wait3A, %dma_wait3A_42] : memref<32x64x128xi32, #tpu.memory_space<hbm>> -> memref<1x64x128xi32, #tpu.memory_space<hbm>>
      %dma_wait3A_44 = tpu.memref_squeeze %dma_wait3A_43 : memref<1x64x128xi32, #tpu.memory_space<hbm>> -> memref<64x128xi32, #tpu.memory_space<hbm>>
      %dma_wait3A_45 = arith.constant 0 : i32
      %dma_wait3A_46 = arith.constant 0 : i32
      %dma_wait3A_47 = tpu.memref_slice %arg3[%add3A, %dma_wait3A_45, %dma_wait3A_46] : memref<32x64x128xi32, #tpu.memory_space<hbm>> -> memref<1x64x128xi32, #tpu.memory_space<hbm>>
      %dma_wait3A_48 = tpu.memref_squeeze %dma_wait3A_47 : memref<1x64x128xi32, #tpu.memory_space<hbm>> -> memref<64x128xi32, #tpu.memory_space<hbm>>
      tpu.wait_dma2 semaphore(%run_scoped3A : memref<!tpu.dma_semaphore, #tpu.memory_space<semaphore_mem>>) src(%dma_wait3A_48 : memref<64x128xi32, #tpu.memory_space<hbm>>) dst(%arg5 : memref<64x128xi32, #tpu.memory_space<vmem>>)
      tpu.yield
    }) : () -> ()
    %dma_start3A = arith.constant 0 : i32
    %dma_start3A_3 = arith.constant 0 : i32
    %dma_start3A_4 = tpu.memref_slice %arg5[%dma_start3A, %dma_start3A_3] : memref<64x128xi32, #tpu.memory_space<vmem>> -> memref<1x128xi32, #tpu.memory_space<vmem>>
    %dma_start3A_5 = tpu.memref_squeeze %dma_start3A_4 : memref<1x128xi32, #tpu.memory_space<vmem>> -> memref<128xi32, #tpu.memory_space<vmem>>
    %dma_start3A_6 = arith.constant 0 : i32
    %dma_start3A_7 = arith.constant 0 : i32
    %dma_start3A_8 = tpu.memref_slice %arg2[%dma_start3A_6, %dma_start3A_7] : memref<16384x64xf32, #tpu.memory_space<hbm>> -> memref<16384x64xf32, #tpu.memory_space<hbm>>
    tpu.enqueue_indirect_dma source(%dma_start3A_8 : memref<16384x64xf32, #tpu.memory_space<hbm>>) target(%arg6 : memref<128x64xf32, #tpu.memory_space<vmem>>) offsets(%dma_start3A_5 : memref<128xi32, #tpu.memory_space<vmem>>) semaphore(%arg10 : memref<!tpu.dma_semaphore, #tpu.memory_space<semaphore_mem>>)
    %dma_start3A_9 = arith.constant 1 : i32
    %dma_start3A_10 = arith.constant 0 : i32
    %dma_start3A_11 = tpu.memref_slice %arg5[%dma_start3A_9, %dma_start3A_10] : memref<64x128xi32, #tpu.memory_space<vmem>> -> memref<1x128xi32, #tpu.memory_space<vmem>>
    %dma_start3A_12 = tpu.memref_squeeze %dma_start3A_11 : memref<1x128xi32, #tpu.memory_space<vmem>> -> memref<128xi32, #tpu.memory_space<vmem>>
    %dma_start3A_13 = arith.constant 0 : i32
    %dma_start3A_14 = arith.constant 0 : i32
    %dma_start3A_15 = tpu.memref_slice %arg2[%dma_start3A_13, %dma_start3A_14] : memref<16384x64xf32, #tpu.memory_space<hbm>> -> memref<16384x64xf32, #tpu.memory_space<hbm>>
    tpu.enqueue_indirect_dma source(%dma_start3A_15 : memref<16384x64xf32, #tpu.memory_space<hbm>>) target(%arg7 : memref<128x64xf32, #tpu.memory_space<vmem>>) offsets(%dma_start3A_12 : memref<128xi32, #tpu.memory_space<vmem>>) semaphore(%arg11 : memref<!tpu.dma_semaphore, #tpu.memory_space<semaphore_mem>>)
    %dma_start3A_16 = arith.constant 2 : i32
    %dma_start3A_17 = arith.constant 0 : i32
    %dma_start3A_18 = tpu.memref_slice %arg5[%dma_start3A_16, %dma_start3A_17] : memref<64x128xi32, #tpu.memory_space<vmem>> -> memref<1x128xi32, #tpu.memory_space<vmem>>
    %dma_start3A_19 = tpu.memref_squeeze %dma_start3A_18 : memref<1x128xi32, #tpu.memory_space<vmem>> -> memref<128xi32, #tpu.memory_space<vmem>>
    %dma_start3A_20 = arith.constant 0 : i32
    %dma_start3A_21 = arith.constant 0 : i32
    %dma_start3A_22 = tpu.memref_slice %arg2[%dma_start3A_20, %dma_start3A_21] : memref<16384x64xf32, #tpu.memory_space<hbm>> -> memref<16384x64xf32, #tpu.memory_space<hbm>>
    tpu.enqueue_indirect_dma source(%dma_start3A_22 : memref<16384x64xf32, #tpu.memory_space<hbm>>) target(%arg8 : memref<128x64xf32, #tpu.memory_space<vmem>>) offsets(%dma_start3A_19 : memref<128xi32, #tpu.memory_space<vmem>>) semaphore(%arg12 : memref<!tpu.dma_semaphore, #tpu.memory_space<semaphore_mem>>)
    %dma_start3A_23 = arith.constant 3 : i32
    %dma_start3A_24 = arith.constant 0 : i32
    %dma_start3A_25 = tpu.memref_slice %arg5[%dma_start3A_23, %dma_start3A_24] : memref<64x128xi32, #tpu.memory_space<vmem>> -> memref<1x128xi32, #tpu.memory_space<vmem>>
    %dma_start3A_26 = tpu.memref_squeeze %dma_start3A_25 : memref<1x128xi32, #tpu.memory_space<vmem>> -> memref<128xi32, #tpu.memory_space<vmem>>
    %dma_start3A_27 = arith.constant 0 : i32
    %dma_start3A_28 = arith.constant 0 : i32
    %dma_start3A_29 = tpu.memref_slice %arg2[%dma_start3A_27, %dma_start3A_28] : memref<16384x64xf32, #tpu.memory_space<hbm>> -> memref<16384x64xf32, #tpu.memory_space<hbm>>
    tpu.enqueue_indirect_dma source(%dma_start3A_29 : memref<16384x64xf32, #tpu.memory_space<hbm>>) target(%arg9 : memref<128x64xf32, #tpu.memory_space<vmem>>) offsets(%dma_start3A_26 : memref<128xi32, #tpu.memory_space<vmem>>) semaphore(%arg13 : memref<!tpu.dma_semaphore, #tpu.memory_space<semaphore_mem>>)
    %scan3A = arith.constant 0 : i32
    %scan3A_30 = arith.constant 16 : i32
    %scan3A_31 = arith.addi %scan3A, %scan3A_30 : i32
    %scan3A_32 = arith.constant 1 : i32
    scf.for %scan3A_34 = %scan3A to %scan3A_31 step %scan3A_32  : i32 {
      %mul3A_35 = arith.constant 4 : i32
      %mul3A_36 = arith.muli %scan3A_34, %mul3A_35 : i32
      %add3A_37 = arith.constant 0 : i32
      %add3A_38 = arith.addi %add3A_37, %mul3A_36 : i32
      %dma_wait3A = arith.constant 0 : i32
      %dma_wait3A_39 = arith.constant 0 : i32
      %dma_wait3A_40 = tpu.memref_slice %arg5[%dma_wait3A, %dma_wait3A_39] : memref<64x128xi32, #tpu.memory_space<vmem>> -> memref<1x128xi32, #tpu.memory_space<vmem>>
      %dma_wait3A_41 = tpu.memref_squeeze %dma_wait3A_40 : memref<1x128xi32, #tpu.memory_space<vmem>> -> memref<128xi32, #tpu.memory_space<vmem>>
      %dma_wait3A_42 = arith.constant 0 : i32
      %dma_wait3A_43 = arith.constant 0 : i32
      %dma_wait3A_44 = tpu.memref_slice %arg2[%dma_wait3A_42, %dma_wait3A_43] : memref<16384x64xf32, #tpu.memory_space<hbm>> -> memref<16384x64xf32, #tpu.memory_space<hbm>>
      tpu.wait_indirect_dma semaphore(%arg10 : memref<!tpu.dma_semaphore, #tpu.memory_space<semaphore_mem>>) src(%dma_wait3A_44 : memref<16384x64xf32, #tpu.memory_space<hbm>>) dst(%arg6 : memref<128x64xf32, #tpu.memory_space<vmem>>)
      %add3A_45 = arith.constant 0 : i32
      %add3A_46 = arith.addi %add3A_38, %add3A_45 : i32
      %mul3A_47 = arith.constant 128 : i32
      %mul3A_48 = arith.muli %add3A_46, %mul3A_47 : i32
      %add3A_49 = arith.addi %mul3A_2, %mul3A_48 : i32
      "tpu.region"() ({
        %run_scoped3A = tpu.sem_alloc : memref<!tpu.dma_semaphore, #tpu.memory_space<semaphore_mem>>
        %dma_start3A_119 = arith.constant 0 : i32
        %dma_start3A_120 = tpu.memref_slice %arg4[%add3A_49, %dma_start3A_119] : memref<262144x64xf32, #tpu.memory_space<hbm>> -> memref<128x64xf32, #tpu.memory_space<hbm>>
        %dma_start3A_121 = arith.constant 0 : i32
        %dma_start3A_122 = tpu.memref_slice %arg4[%add3A_49, %dma_start3A_121] : memref<262144x64xf32, #tpu.memory_space<hbm>> -> memref<128x64xf32, #tpu.memory_space<hbm>>
        tpu.enqueue_dma source(%arg6 : memref<128x64xf32, #tpu.memory_space<vmem>>) target(%dma_start3A_122 : memref<128x64xf32, #tpu.memory_space<hbm>>) target_semaphore(%run_scoped3A : memref<!tpu.dma_semaphore, #tpu.memory_space<semaphore_mem>>)
        %dma_wait3A_123 = arith.constant 0 : i32
        %dma_wait3A_124 = tpu.memref_slice %arg4[%add3A_49, %dma_wait3A_123] : memref<262144x64xf32, #tpu.memory_space<hbm>> -> memref<128x64xf32, #tpu.memory_space<hbm>>
        %dma_wait3A_125 = arith.constant 0 : i32
        %dma_wait3A_126 = tpu.memref_slice %arg4[%add3A_49, %dma_wait3A_125] : memref<262144x64xf32, #tpu.memory_space<hbm>> -> memref<128x64xf32, #tpu.memory_space<hbm>>
        tpu.wait_dma2 semaphore(%run_scoped3A : memref<!tpu.dma_semaphore, #tpu.memory_space<semaphore_mem>>) src(%arg6 : memref<128x64xf32, #tpu.memory_space<vmem>>) dst(%dma_wait3A_126 : memref<128x64xf32, #tpu.memory_space<hbm>>)
        tpu.yield
      }) : () -> ()
      %add3A_50 = arith.constant 0 : i32
      %add3A_51 = arith.addi %add3A_38, %add3A_50 : i32
      %add3A_52 = arith.constant 4 : i32
      %add3A_53 = arith.addi %add3A_51, %add3A_52 : i32
      %lt3A = arith.constant 64 : i32
      %lt3A_54 = arith.cmpi slt, %add3A_53, %lt3A : i32
      %convert_element_type3A = arith.extui %lt3A_54 : i1 to i32
      %cond3A = arith.constant 0 : i32
      %cond3A_55 = arith.cmpi ne, %convert_element_type3A, %cond3A : i32
      scf.if %cond3A_55 {
        %dma_start3A_119 = arith.constant 0 : i32
        %dma_start3A_120 = tpu.memref_slice %arg5[%add3A_53, %dma_start3A_119] : memref<64x128xi32, #tpu.memory_space<vmem>> -> memref<1x128xi32, #tpu.memory_space<vmem>>
        %dma_start3A_121 = tpu.memref_squeeze %dma_start3A_120 : memref<1x128xi32, #tpu.memory_space<vmem>> -> memref<128xi32, #tpu.memory_space<vmem>>
        %dma_start3A_122 = arith.constant 0 : i32
        %dma_start3A_123 = arith.constant 0 : i32
        %dma_start3A_124 = tpu.memref_slice %arg2[%dma_start3A_122, %dma_start3A_123] : memref<16384x64xf32, #tpu.memory_space<hbm>> -> memref<16384x64xf32, #tpu.memory_space<hbm>>
        tpu.enqueue_indirect_dma source(%dma_start3A_124 : memref<16384x64xf32, #tpu.memory_space<hbm>>) target(%arg6 : memref<128x64xf32, #tpu.memory_space<vmem>>) offsets(%dma_start3A_121 : memref<128xi32, #tpu.memory_space<vmem>>) semaphore(%arg10 : memref<!tpu.dma_semaphore, #tpu.memory_space<semaphore_mem>>)
      } else {
      }
      %dma_wait3A_56 = arith.constant 1 : i32
      %dma_wait3A_57 = arith.constant 0 : i32
      %dma_wait3A_58 = tpu.memref_slice %arg5[%dma_wait3A_56, %dma_wait3A_57] : memref<64x128xi32, #tpu.memory_space<vmem>> -> memref<1x128xi32, #tpu.memory_space<vmem>>
      %dma_wait3A_59 = tpu.memref_squeeze %dma_wait3A_58 : memref<1x128xi32, #tpu.memory_space<vmem>> -> memref<128xi32, #tpu.memory_space<vmem>>
      %dma_wait3A_60 = arith.constant 0 : i32
      %dma_wait3A_61 = arith.constant 0 : i32
      %dma_wait3A_62 = tpu.memref_slice %arg2[%dma_wait3A_60, %dma_wait3A_61] : memref<16384x64xf32, #tpu.memory_space<hbm>> -> memref<16384x64xf32, #tpu.memory_space<hbm>>
      tpu.wait_indirect_dma semaphore(%arg11 : memref<!tpu.dma_semaphore, #tpu.memory_space<semaphore_mem>>) src(%dma_wait3A_62 : memref<16384x64xf32, #tpu.memory_space<hbm>>) dst(%arg7 : memref<128x64xf32, #tpu.memory_space<vmem>>)
      %add3A_63 = arith.constant 1 : i32
      %add3A_64 = arith.addi %add3A_38, %add3A_63 : i32
      %mul3A_65 = arith.constant 128 : i32
      %mul3A_66 = arith.muli %add3A_64, %mul3A_65 : i32
      %add3A_67 = arith.addi %mul3A_2, %mul3A_66 : i32
      "tpu.region"() ({
        %run_scoped3A = tpu.sem_alloc : memref<!tpu.dma_semaphore, #tpu.memory_space<semaphore_mem>>
        %dma_start3A_119 = arith.constant 0 : i32
        %dma_start3A_120 = tpu.memref_slice %arg4[%add3A_67, %dma_start3A_119] : memref<262144x64xf32, #tpu.memory_space<hbm>> -> memref<128x64xf32, #tpu.memory_space<hbm>>
        %dma_start3A_121 = arith.constant 0 : i32
        %dma_start3A_122 = tpu.memref_slice %arg4[%add3A_67, %dma_start3A_121] : memref<262144x64xf32, #tpu.memory_space<hbm>> -> memref<128x64xf32, #tpu.memory_space<hbm>>
        tpu.enqueue_dma source(%arg7 : memref<128x64xf32, #tpu.memory_space<vmem>>) target(%dma_start3A_122 : memref<128x64xf32, #tpu.memory_space<hbm>>) target_semaphore(%run_scoped3A : memref<!tpu.dma_semaphore, #tpu.memory_space<semaphore_mem>>)
        %dma_wait3A_123 = arith.constant 0 : i32
        %dma_wait3A_124 = tpu.memref_slice %arg4[%add3A_67, %dma_wait3A_123] : memref<262144x64xf32, #tpu.memory_space<hbm>> -> memref<128x64xf32, #tpu.memory_space<hbm>>
        %dma_wait3A_125 = arith.constant 0 : i32
        %dma_wait3A_126 = tpu.memref_slice %arg4[%add3A_67, %dma_wait3A_125] : memref<262144x64xf32, #tpu.memory_space<hbm>> -> memref<128x64xf32, #tpu.memory_space<hbm>>
        tpu.wait_dma2 semaphore(%run_scoped3A : memref<!tpu.dma_semaphore, #tpu.memory_space<semaphore_mem>>) src(%arg7 : memref<128x64xf32, #tpu.memory_space<vmem>>) dst(%dma_wait3A_126 : memref<128x64xf32, #tpu.memory_space<hbm>>)
        tpu.yield
      }) : () -> ()
      %add3A_68 = arith.constant 1 : i32
      %add3A_69 = arith.addi %add3A_38, %add3A_68 : i32
      %add3A_70 = arith.constant 4 : i32
      %add3A_71 = arith.addi %add3A_69, %add3A_70 : i32
      %lt3A_72 = arith.constant 64 : i32
      %lt3A_73 = arith.cmpi slt, %add3A_71, %lt3A_72 : i32
      %convert_element_type3A_74 = arith.extui %lt3A_73 : i1 to i32
      %cond3A_75 = arith.constant 0 : i32
      %cond3A_76 = arith.cmpi ne, %convert_element_type3A_74, %cond3A_75 : i32
      scf.if %cond3A_76 {
        %dma_start3A_119 = arith.constant 0 : i32
        %dma_start3A_120 = tpu.memref_slice %arg5[%add3A_71, %dma_start3A_119] : memref<64x128xi32, #tpu.memory_space<vmem>> -> memref<1x128xi32, #tpu.memory_space<vmem>>
        %dma_start3A_121 = tpu.memref_squeeze %dma_start3A_120 : memref<1x128xi32, #tpu.memory_space<vmem>> -> memref<128xi32, #tpu.memory_space<vmem>>
        %dma_start3A_122 = arith.constant 0 : i32
        %dma_start3A_123 = arith.constant 0 : i32
        %dma_start3A_124 = tpu.memref_slice %arg2[%dma_start3A_122, %dma_start3A_123] : memref<16384x64xf32, #tpu.memory_space<hbm>> -> memref<16384x64xf32, #tpu.memory_space<hbm>>
        tpu.enqueue_indirect_dma source(%dma_start3A_124 : memref<16384x64xf32, #tpu.memory_space<hbm>>) target(%arg7 : memref<128x64xf32, #tpu.memory_space<vmem>>) offsets(%dma_start3A_121 : memref<128xi32, #tpu.memory_space<vmem>>) semaphore(%arg11 : memref<!tpu.dma_semaphore, #tpu.memory_space<semaphore_mem>>)
      } else {
      }
      %dma_wait3A_77 = arith.constant 2 : i32
      %dma_wait3A_78 = arith.constant 0 : i32
      %dma_wait3A_79 = tpu.memref_slice %arg5[%dma_wait3A_77, %dma_wait3A_78] : memref<64x128xi32, #tpu.memory_space<vmem>> -> memref<1x128xi32, #tpu.memory_space<vmem>>
      %dma_wait3A_80 = tpu.memref_squeeze %dma_wait3A_79 : memref<1x128xi32, #tpu.memory_space<vmem>> -> memref<128xi32, #tpu.memory_space<vmem>>
      %dma_wait3A_81 = arith.constant 0 : i32
      %dma_wait3A_82 = arith.constant 0 : i32
      %dma_wait3A_83 = tpu.memref_slice %arg2[%dma_wait3A_81, %dma_wait3A_82] : memref<16384x64xf32, #tpu.memory_space<hbm>> -> memref<16384x64xf32, #tpu.memory_space<hbm>>
      tpu.wait_indirect_dma semaphore(%arg12 : memref<!tpu.dma_semaphore, #tpu.memory_space<semaphore_mem>>) src(%dma_wait3A_83 : memref<16384x64xf32, #tpu.memory_space<hbm>>) dst(%arg8 : memref<128x64xf32, #tpu.memory_space<vmem>>)
      %add3A_84 = arith.constant 2 : i32
      %add3A_85 = arith.addi %add3A_38, %add3A_84 : i32
      %mul3A_86 = arith.constant 128 : i32
      %mul3A_87 = arith.muli %add3A_85, %mul3A_86 : i32
      %add3A_88 = arith.addi %mul3A_2, %mul3A_87 : i32
      "tpu.region"() ({
        %run_scoped3A = tpu.sem_alloc : memref<!tpu.dma_semaphore, #tpu.memory_space<semaphore_mem>>
        %dma_start3A_119 = arith.constant 0 : i32
        %dma_start3A_120 = tpu.memref_slice %arg4[%add3A_88, %dma_start3A_119] : memref<262144x64xf32, #tpu.memory_space<hbm>> -> memref<128x64xf32, #tpu.memory_space<hbm>>
        %dma_start3A_121 = arith.constant 0 : i32
        %dma_start3A_122 = tpu.memref_slice %arg4[%add3A_88, %dma_start3A_121] : memref<262144x64xf32, #tpu.memory_space<hbm>> -> memref<128x64xf32, #tpu.memory_space<hbm>>
        tpu.enqueue_dma source(%arg8 : memref<128x64xf32, #tpu.memory_space<vmem>>) target(%dma_start3A_122 : memref<128x64xf32, #tpu.memory_space<hbm>>) target_semaphore(%run_scoped3A : memref<!tpu.dma_semaphore, #tpu.memory_space<semaphore_mem>>)
        %dma_wait3A_123 = arith.constant 0 : i32
        %dma_wait3A_124 = tpu.memref_slice %arg4[%add3A_88, %dma_wait3A_123] : memref<262144x64xf32, #tpu.memory_space<hbm>> -> memref<128x64xf32, #tpu.memory_space<hbm>>
        %dma_wait3A_125 = arith.constant 0 : i32
        %dma_wait3A_126 = tpu.memref_slice %arg4[%add3A_88, %dma_wait3A_125] : memref<262144x64xf32, #tpu.memory_space<hbm>> -> memref<128x64xf32, #tpu.memory_space<hbm>>
        tpu.wait_dma2 semaphore(%run_scoped3A : memref<!tpu.dma_semaphore, #tpu.memory_space<semaphore_mem>>) src(%arg8 : memref<128x64xf32, #tpu.memory_space<vmem>>) dst(%dma_wait3A_126 : memref<128x64xf32, #tpu.memory_space<hbm>>)
        tpu.yield
      }) : () -> ()
      %add3A_89 = arith.constant 2 : i32
      %add3A_90 = arith.addi %add3A_38, %add3A_89 : i32
      %add3A_91 = arith.constant 4 : i32
      %add3A_92 = arith.addi %add3A_90, %add3A_91 : i32
      %lt3A_93 = arith.constant 64 : i32
      %lt3A_94 = arith.cmpi slt, %add3A_92, %lt3A_93 : i32
      %convert_element_type3A_95 = arith.extui %lt3A_94 : i1 to i32
      %cond3A_96 = arith.constant 0 : i32
      %cond3A_97 = arith.cmpi ne, %convert_element_type3A_95, %cond3A_96 : i32
      scf.if %cond3A_97 {
        %dma_start3A_119 = arith.constant 0 : i32
        %dma_start3A_120 = tpu.memref_slice %arg5[%add3A_92, %dma_start3A_119] : memref<64x128xi32, #tpu.memory_space<vmem>> -> memref<1x128xi32, #tpu.memory_space<vmem>>
        %dma_start3A_121 = tpu.memref_squeeze %dma_start3A_120 : memref<1x128xi32, #tpu.memory_space<vmem>> -> memref<128xi32, #tpu.memory_space<vmem>>
        %dma_start3A_122 = arith.constant 0 : i32
        %dma_start3A_123 = arith.constant 0 : i32
        %dma_start3A_124 = tpu.memref_slice %arg2[%dma_start3A_122, %dma_start3A_123] : memref<16384x64xf32, #tpu.memory_space<hbm>> -> memref<16384x64xf32, #tpu.memory_space<hbm>>
        tpu.enqueue_indirect_dma source(%dma_start3A_124 : memref<16384x64xf32, #tpu.memory_space<hbm>>) target(%arg8 : memref<128x64xf32, #tpu.memory_space<vmem>>) offsets(%dma_start3A_121 : memref<128xi32, #tpu.memory_space<vmem>>) semaphore(%arg12 : memref<!tpu.dma_semaphore, #tpu.memory_space<semaphore_mem>>)
      } else {
      }
      %dma_wait3A_98 = arith.constant 3 : i32
      %dma_wait3A_99 = arith.constant 0 : i32
      %dma_wait3A_100 = tpu.memref_slice %arg5[%dma_wait3A_98, %dma_wait3A_99] : memref<64x128xi32, #tpu.memory_space<vmem>> -> memref<1x128xi32, #tpu.memory_space<vmem>>
      %dma_wait3A_101 = tpu.memref_squeeze %dma_wait3A_100 : memref<1x128xi32, #tpu.memory_space<vmem>> -> memref<128xi32, #tpu.memory_space<vmem>>
      %dma_wait3A_102 = arith.constant 0 : i32
      %dma_wait3A_103 = arith.constant 0 : i32
      %dma_wait3A_104 = tpu.memref_slice %arg2[%dma_wait3A_102, %dma_wait3A_103] : memref<16384x64xf32, #tpu.memory_space<hbm>> -> memref<16384x64xf32, #tpu.memory_space<hbm>>
      tpu.wait_indirect_dma semaphore(%arg13 : memref<!tpu.dma_semaphore, #tpu.memory_space<semaphore_mem>>) src(%dma_wait3A_104 : memref<16384x64xf32, #tpu.memory_space<hbm>>) dst(%arg9 : memref<128x64xf32, #tpu.memory_space<vmem>>)
      %add3A_105 = arith.constant 3 : i32
      %add3A_106 = arith.addi %add3A_38, %add3A_105 : i32
      %mul3A_107 = arith.constant 128 : i32
      %mul3A_108 = arith.muli %add3A_106, %mul3A_107 : i32
      %add3A_109 = arith.addi %mul3A_2, %mul3A_108 : i32
      "tpu.region"() ({
        %run_scoped3A = tpu.sem_alloc : memref<!tpu.dma_semaphore, #tpu.memory_space<semaphore_mem>>
        %dma_start3A_119 = arith.constant 0 : i32
        %dma_start3A_120 = tpu.memref_slice %arg4[%add3A_109, %dma_start3A_119] : memref<262144x64xf32, #tpu.memory_space<hbm>> -> memref<128x64xf32, #tpu.memory_space<hbm>>
        %dma_start3A_121 = arith.constant 0 : i32
        %dma_start3A_122 = tpu.memref_slice %arg4[%add3A_109, %dma_start3A_121] : memref<262144x64xf32, #tpu.memory_space<hbm>> -> memref<128x64xf32, #tpu.memory_space<hbm>>
        tpu.enqueue_dma source(%arg9 : memref<128x64xf32, #tpu.memory_space<vmem>>) target(%dma_start3A_122 : memref<128x64xf32, #tpu.memory_space<hbm>>) target_semaphore(%run_scoped3A : memref<!tpu.dma_semaphore, #tpu.memory_space<semaphore_mem>>)
        %dma_wait3A_123 = arith.constant 0 : i32
        %dma_wait3A_124 = tpu.memref_slice %arg4[%add3A_109, %dma_wait3A_123] : memref<262144x64xf32, #tpu.memory_space<hbm>> -> memref<128x64xf32, #tpu.memory_space<hbm>>
        %dma_wait3A_125 = arith.constant 0 : i32
        %dma_wait3A_126 = tpu.memref_slice %arg4[%add3A_109, %dma_wait3A_125] : memref<262144x64xf32, #tpu.memory_space<hbm>> -> memref<128x64xf32, #tpu.memory_space<hbm>>
        tpu.wait_dma2 semaphore(%run_scoped3A : memref<!tpu.dma_semaphore, #tpu.memory_space<semaphore_mem>>) src(%arg9 : memref<128x64xf32, #tpu.memory_space<vmem>>) dst(%dma_wait3A_126 : memref<128x64xf32, #tpu.memory_space<hbm>>)
        tpu.yield
      }) : () -> ()
      %add3A_110 = arith.constant 3 : i32
      %add3A_111 = arith.addi %add3A_38, %add3A_110 : i32
      %add3A_112 = arith.constant 4 : i32
      %add3A_113 = arith.addi %add3A_111, %add3A_112 : i32
      %lt3A_114 = arith.constant 64 : i32
      %lt3A_115 = arith.cmpi slt, %add3A_113, %lt3A_114 : i32
      %convert_element_type3A_116 = arith.extui %lt3A_115 : i1 to i32
      %cond3A_117 = arith.constant 0 : i32
      %cond3A_118 = arith.cmpi ne, %convert_element_type3A_116, %cond3A_117 : i32
      scf.if %cond3A_118 {
        %dma_start3A_119 = arith.constant 0 : i32
        %dma_start3A_120 = tpu.memref_slice %arg5[%add3A_113, %dma_start3A_119] : memref<64x128xi32, #tpu.memory_space<vmem>> -> memref<1x128xi32, #tpu.memory_space<vmem>>
        %dma_start3A_121 = tpu.memref_squeeze %dma_start3A_120 : memref<1x128xi32, #tpu.memory_space<vmem>> -> memref<128xi32, #tpu.memory_space<vmem>>
        %dma_start3A_122 = arith.constant 0 : i32
        %dma_start3A_123 = arith.constant 0 : i32
        %dma_start3A_124 = tpu.memref_slice %arg2[%dma_start3A_122, %dma_start3A_123] : memref<16384x64xf32, #tpu.memory_space<hbm>> -> memref<16384x64xf32, #tpu.memory_space<hbm>>
        tpu.enqueue_indirect_dma source(%dma_start3A_124 : memref<16384x64xf32, #tpu.memory_space<hbm>>) target(%arg9 : memref<128x64xf32, #tpu.memory_space<vmem>>) offsets(%dma_start3A_121 : memref<128xi32, #tpu.memory_space<vmem>>) semaphore(%arg13 : memref<!tpu.dma_semaphore, #tpu.memory_space<semaphore_mem>>)
      } else {
      }
    }
    %scan3A_33 = arith.constant 16 : i32
    return
  }
}

module attributes {stable_mosaic.version = 14 : i64} {
  func.func @_knn_proj_body(%arg0: i32, %arg1: i32, %arg2: memref<1x64x4096xf32, #tpu.memory_space<vmem>>, %arg3: memref<1x64x512xf32, #tpu.memory_space<vmem>>, %arg4: memref<128x64xf32, #tpu.memory_space<vmem>>, %arg5: memref<1x64xf32, #tpu.memory_space<vmem>>, %arg6: memref<512x16xi32, #tpu.memory_space<vmem>>, %arg7: memref<512x64xf32, #tpu.memory_space<vmem>>, %arg8: memref<512x64xf32, #tpu.memory_space<vmem>>) attributes {dimension_semantics = [#tpu.dimension_semantics<arbitrary>, #tpu.dimension_semantics<arbitrary>], iteration_bounds = array<i64: 4, 8>, scalar_prefetch = 0 : i64, scratch_operands = 0 : i64, tpu.core_type = #tpu.core_type<tc>, window_params = [{transform_indices = @transform_0, window_bounds = array<i64: 1, 64, 4096>}, {transform_indices = @transform_1, window_bounds = array<i64: 1, 64, 512>}, {pipeline_mode = #tpu.pipeline_mode<synchronous>, transform_indices = @transform_2, window_bounds = array<i64: 128, 64>}, {pipeline_mode = #tpu.pipeline_mode<synchronous>, transform_indices = @transform_3, window_bounds = array<i64: 1, 64>}, {transform_indices = @transform_4, window_bounds = array<i64: 512, 16>}, {transform_indices = @transform_5, window_bounds = array<i64: 512, 64>}, {transform_indices = @transform_6, window_bounds = array<i64: 512, 64>}]} {
    %get3A = arith.constant 0 : index
    %get3A_0 = arith.constant 0 : index
    %get3A_1 = arith.constant 0 : index
    %get3A_2 = vector.load %arg2[%get3A, %get3A_0, %get3A_1] : memref<1x64x4096xf32, #tpu.memory_space<vmem>>, vector<1x64x4096xf32>
    %get3A_3 = vector.shape_cast %get3A_2 : vector<1x64x4096xf32> to vector<64x4096xf32>
    %get3A_4 = arith.constant 0 : index
    %get3A_5 = arith.constant 0 : index
    %get3A_6 = arith.constant 0 : index
    %get3A_7 = vector.load %arg3[%get3A_4, %get3A_5, %get3A_6] : memref<1x64x512xf32, #tpu.memory_space<vmem>>, vector<1x64x512xf32>
    %get3A_8 = vector.shape_cast %get3A_7 : vector<1x64x512xf32> to vector<64x512xf32>
    %dot_general3A = arith.constant dense<0.000000e+00> : vector<512x4096xf32>
    %dot_general3A_9 = tpu.matmul %get3A_8, %get3A_3, %dot_general3A {dimension_numbers = #tpu.dot_dimension_numbers<[0], [0], [1], [1], [0, 1, 1, 1], [], []>, transpose_lhs_hint = false} : vector<64x512xf32>, vector<64x4096xf32>, vector<512x4096xf32> -> vector<512x4096xf32>
    %mul3A = arith.mulf %get3A_3, %get3A_3 : vector<64x4096xf32>
    %reduce_sum3A = arith.constant dense<0.000000e+00> : vector<4096xf32>
    %reduce_sum3A_10 = vector.multi_reduction <add>, %mul3A, %reduce_sum3A [0] : vector<64x4096xf32> to vector<4096xf32>
    %broadcast_in_dim3A = vector.shape_cast %reduce_sum3A_10 : vector<4096xf32> to vector<1x4096xf32>
    %mul3A_11 = arith.mulf %get3A_8, %get3A_8 : vector<64x512xf32>
    %reduce_sum3A_12 = arith.constant dense<0.000000e+00> : vector<512xf32>
    %reduce_sum3A_13 = vector.multi_reduction <add>, %mul3A_11, %reduce_sum3A_12 [0] : vector<64x512xf32> to vector<512xf32>
    %broadcast_in_dim3A_14 = vector.shape_cast %reduce_sum3A_13 : vector<512xf32> to vector<1x512xf32>
    %transpose3A = tpu.transpose %broadcast_in_dim3A_14, [1, 0] : vector<1x512xf32> -> vector<512x1xf32>
    %mul3A_15 = arith.constant 2.000000e+00 : f32
    %mul3A_16 = vector.broadcast %mul3A_15 : f32 to vector<512x4096xf32>
    %mul3A_17 = arith.mulf %mul3A_16, %dot_general3A_9 : vector<512x4096xf32>
    %sub3A = vector.broadcast %broadcast_in_dim3A : vector<1x4096xf32> to vector<512x4096xf32>
    %sub3A_18 = arith.subf %mul3A_17, %sub3A : vector<512x4096xf32>
    %sub3A_19 = vector.broadcast %transpose3A : vector<512x1xf32> to vector<512x4096xf32>
    %sub3A_20 = arith.subf %sub3A_18, %sub3A_19 : vector<512x4096xf32>
    %iota3A = tpu.iota {dimensions = array<i32: 1>} : vector<512x4096xi32>
    %iota3A_21 = tpu.iota {dimensions = array<i32: 0>} : vector<512x1xi32>
    %mul3A_22 = arith.constant 512 : i32
    %mul3A_23 = arith.muli %arg1, %mul3A_22 : i32
    %add3A = vector.broadcast %mul3A_23 : i32 to vector<512x1xi32>
    %add3A_24 = arith.addi %iota3A_21, %add3A : vector<512x1xi32>
    %eq3A = vector.broadcast %add3A_24 : vector<512x1xi32> to vector<512x4096xi32>
    %eq3A_25 = arith.cmpi eq, %iota3A, %eq3A : vector<512x4096xi32>
    %jit3A = arith.constant -3.000000e+38 : f32
    %broadcast_in_dim3A_26 = vector.broadcast %jit3A : f32 to vector<512x4096xf32>
    %select_n3A = arith.select %eq3A_25, %broadcast_in_dim3A_26, %sub3A_20 : vector<512x4096xi1>, vector<512x4096xf32>
    %reduce_max3A = arith.constant dense<0xFF800000> : vector<512xf32>
    %reduce_max3A_27 = vector.multi_reduction <maximumf>, %select_n3A, %reduce_max3A [1] : vector<512x4096xf32> to vector<512xf32>
    %broadcast_in_dim3A_28 = vector.shape_cast %reduce_max3A_27 : vector<512xf32> to vector<512x1xf32>
    %sub3A_29 = vector.broadcast %broadcast_in_dim3A_28 : vector<512x1xf32> to vector<512x4096xf32>
    %sub3A_30 = arith.subf %select_n3A, %sub3A_29 : vector<512x4096xf32>
    %sub3A_31 = arith.constant 9.99999996E-13 : f32
    %sub3A_32 = vector.broadcast %sub3A_31 : f32 to vector<512x4096xf32>
    %sub3A_33 = arith.subf %sub3A_30, %sub3A_32 : vector<512x4096xf32>
    %bitcast_convert_type3A = tpu.bitcast %sub3A_33 : vector<512x4096xf32> -> vector<512x4096xi32>
    %and3A = arith.constant -512 : i32
    %and3A_34 = vector.broadcast %and3A : i32 to vector<512x4096xi32>
    %and3A_35 = arith.andi %bitcast_convert_type3A, %and3A_34 : vector<512x4096xi32>
    %and3A_36 = arith.constant 511 : i32
    %and3A_37 = vector.broadcast %and3A_36 : i32 to vector<512x4096xi32>
    %and3A_38 = arith.andi %iota3A, %and3A_37 : vector<512x4096xi32>
    %or3A = arith.ori %and3A_35, %and3A_38 : vector<512x4096xi32>
    %bitcast_convert_type3A_39 = tpu.bitcast %or3A : vector<512x4096xi32> -> vector<512x4096xf32>
    %slice3A = vector.extract_strided_slice %bitcast_convert_type3A_39 {offsets = [0, 0], sizes = [512, 512], strides = [1, 1]} : vector<512x4096xf32> to vector<512x512xf32>
    %reduce_max3A_40 = arith.constant dense<0xFF800000> : vector<512xf32>
    %reduce_max3A_41 = vector.multi_reduction <maximumf>, %slice3A, %reduce_max3A_40 [1] : vector<512x512xf32> to vector<512xf32>
    %broadcast_in_dim3A_42 = vector.shape_cast %reduce_max3A_41 : vector<512xf32> to vector<512x1xf32>
    %eq3A_43 = vector.broadcast %broadcast_in_dim3A_42 : vector<512x1xf32> to vector<512x512xf32>
    %eq3A_44 = arith.cmpf oeq, %slice3A, %eq3A_43 : vector<512x512xf32>
    %jit3A_45 = arith.constant -3.000000e+38 : f32
    %broadcast_in_dim3A_46 = vector.broadcast %jit3A_45 : f32 to vector<512x512xf32>
    %select_n3A_47 = arith.select %eq3A_44, %broadcast_in_dim3A_46, %slice3A : vector<512x512xi1>, vector<512x512xf32>
    %reduce_max3A_48 = arith.constant dense<0xFF800000> : vector<512xf32>
    %reduce_max3A_49 = vector.multi_reduction <maximumf>, %select_n3A_47, %reduce_max3A_48 [1] : vector<512x512xf32> to vector<512xf32>
    %broadcast_in_dim3A_50 = vector.shape_cast %reduce_max3A_49 : vector<512xf32> to vector<512x1xf32>
    %eq3A_51 = vector.broadcast %broadcast_in_dim3A_50 : vector<512x1xf32> to vector<512x512xf32>
    %eq3A_52 = arith.cmpf oeq, %select_n3A_47, %eq3A_51 : vector<512x512xf32>
    %jit3A_53 = arith.constant -3.000000e+38 : f32
    %broadcast_in_dim3A_54 = vector.broadcast %jit3A_53 : f32 to vector<512x512xf32>
    %select_n3A_55 = arith.select %eq3A_52, %broadcast_in_dim3A_54, %select_n3A_47 : vector<512x512xi1>, vector<512x512xf32>
    %reduce_max3A_56 = arith.constant dense<0xFF800000> : vector<512xf32>
    %reduce_max3A_57 = vector.multi_reduction <maximumf>, %select_n3A_55, %reduce_max3A_56 [1] : vector<512x512xf32> to vector<512xf32>
    %broadcast_in_dim3A_58 = vector.shape_cast %reduce_max3A_57 : vector<512xf32> to vector<512x1xf32>
    %eq3A_59 = vector.broadcast %broadcast_in_dim3A_58 : vector<512x1xf32> to vector<512x512xf32>
    %eq3A_60 = arith.cmpf oeq, %select_n3A_55, %eq3A_59 : vector<512x512xf32>
    %jit3A_61 = arith.constant -3.000000e+38 : f32
    %broadcast_in_dim3A_62 = vector.broadcast %jit3A_61 : f32 to vector<512x512xf32>
    %select_n3A_63 = arith.select %eq3A_60, %broadcast_in_dim3A_62, %select_n3A_55 : vector<512x512xi1>, vector<512x512xf32>
    %reduce_max3A_64 = arith.constant dense<0xFF800000> : vector<512xf32>
    %reduce_max3A_65 = vector.multi_reduction <maximumf>, %select_n3A_63, %reduce_max3A_64 [1] : vector<512x512xf32> to vector<512xf32>
    %broadcast_in_dim3A_66 = vector.shape_cast %reduce_max3A_65 : vector<512xf32> to vector<512x1xf32>
    %eq3A_67 = vector.broadcast %broadcast_in_dim3A_66 : vector<512x1xf32> to vector<512x512xf32>
    %eq3A_68 = arith.cmpf oeq, %select_n3A_63, %eq3A_67 : vector<512x512xf32>
    %jit3A_69 = arith.constant -3.000000e+38 : f32
    %broadcast_in_dim3A_70 = vector.broadcast %jit3A_69 : f32 to vector<512x512xf32>
    %select_n3A_71 = arith.select %eq3A_68, %broadcast_in_dim3A_70, %select_n3A_63 : vector<512x512xi1>, vector<512x512xf32>
    %reduce_max3A_72 = arith.constant dense<0xFF800000> : vector<512xf32>
    %reduce_max3A_73 = vector.multi_reduction <maximumf>, %select_n3A_71, %reduce_max3A_72 [1] : vector<512x512xf32> to vector<512xf32>
    %broadcast_in_dim3A_74 = vector.shape_cast %reduce_max3A_73 : vector<512xf32> to vector<512x1xf32>
    %eq3A_75 = vector.broadcast %broadcast_in_dim3A_74 : vector<512x1xf32> to vector<512x512xf32>
    %eq3A_76 = arith.cmpf oeq, %select_n3A_71, %eq3A_75 : vector<512x512xf32>
    %jit3A_77 = arith.constant -3.000000e+38 : f32
    %broadcast_in_dim3A_78 = vector.broadcast %jit3A_77 : f32 to vector<512x512xf32>
    %select_n3A_79 = arith.select %eq3A_76, %broadcast_in_dim3A_78, %select_n3A_71 : vector<512x512xi1>, vector<512x512xf32>
    %reduce_max3A_80 = arith.constant dense<0xFF800000> : vector<512xf32>
    %reduce_max3A_81 = vector.multi_reduction <maximumf>, %select_n3A_79, %reduce_max3A_80 [1] : vector<512x512xf32> to vector<512xf32>
    %broadcast_in_dim3A_82 = vector.shape_cast %reduce_max3A_81 : vector<512xf32> to vector<512x1xf32>
    %eq3A_83 = vector.broadcast %broadcast_in_dim3A_82 : vector<512x1xf32> to vector<512x512xf32>
    %eq3A_84 = arith.cmpf oeq, %select_n3A_79, %eq3A_83 : vector<512x512xf32>
    %jit3A_85 = arith.constant -3.000000e+38 : f32
    %broadcast_in_dim3A_86 = vector.broadcast %jit3A_85 : f32 to vector<512x512xf32>
    %select_n3A_87 = arith.select %eq3A_84, %broadcast_in_dim3A_86, %select_n3A_79 : vector<512x512xi1>, vector<512x512xf32>
    %reduce_max3A_88 = arith.constant dense<0xFF800000> : vector<512xf32>
    %reduce_max3A_89 = vector.multi_reduction <maximumf>, %select_n3A_87, %reduce_max3A_88 [1] : vector<512x512xf32> to vector<512xf32>
    %broadcast_in_dim3A_90 = vector.shape_cast %reduce_max3A_89 : vector<512xf32> to vector<512x1xf32>
    %eq3A_91 = vector.broadcast %broadcast_in_dim3A_90 : vector<512x1xf32> to vector<512x512xf32>
    %eq3A_92 = arith.cmpf oeq, %select_n3A_87, %eq3A_91 : vector<512x512xf32>
    %jit3A_93 = arith.constant -3.000000e+38 : f32
    %broadcast_in_dim3A_94 = vector.broadcast %jit3A_93 : f32 to vector<512x512xf32>
    %select_n3A_95 = arith.select %eq3A_92, %broadcast_in_dim3A_94, %select_n3A_87 : vector<512x512xi1>, vector<512x512xf32>
    %reduce_max3A_96 = arith.constant dense<0xFF800000> : vector<512xf32>
    %reduce_max3A_97 = vector.multi_reduction <maximumf>, %select_n3A_95, %reduce_max3A_96 [1] : vector<512x512xf32> to vector<512xf32>
    %broadcast_in_dim3A_98 = vector.shape_cast %reduce_max3A_97 : vector<512xf32> to vector<512x1xf32>
    %slice3A_99 = vector.extract_strided_slice %bitcast_convert_type3A_39 {offsets = [0, 512], sizes = [512, 512], strides = [1, 1]} : vector<512x4096xf32> to vector<512x512xf32>
    %reduce_max3A_100 = arith.constant dense<0xFF800000> : vector<512xf32>
    %reduce_max3A_101 = vector.multi_reduction <maximumf>, %slice3A_99, %reduce_max3A_100 [1] : vector<512x512xf32> to vector<512xf32>
    %broadcast_in_dim3A_102 = vector.shape_cast %reduce_max3A_101 : vector<512xf32> to vector<512x1xf32>
    %eq3A_103 = vector.broadcast %broadcast_in_dim3A_102 : vector<512x1xf32> to vector<512x512xf32>
    %eq3A_104 = arith.cmpf oeq, %slice3A_99, %eq3A_103 : vector<512x512xf32>
    %jit3A_105 = arith.constant -3.000000e+38 : f32
    %broadcast_in_dim3A_106 = vector.broadcast %jit3A_105 : f32 to vector<512x512xf32>
    %select_n3A_107 = arith.select %eq3A_104, %broadcast_in_dim3A_106, %slice3A_99 : vector<512x512xi1>, vector<512x512xf32>
    %reduce_max3A_108 = arith.constant dense<0xFF800000> : vector<512xf32>
    %reduce_max3A_109 = vector.multi_reduction <maximumf>, %select_n3A_107, %reduce_max3A_108 [1] : vector<512x512xf32> to vector<512xf32>
    %broadcast_in_dim3A_110 = vector.shape_cast %reduce_max3A_109 : vector<512xf32> to vector<512x1xf32>
    %eq3A_111 = vector.broadcast %broadcast_in_dim3A_110 : vector<512x1xf32> to vector<512x512xf32>
    %eq3A_112 = arith.cmpf oeq, %select_n3A_107, %eq3A_111 : vector<512x512xf32>
    %jit3A_113 = arith.constant -3.000000e+38 : f32
    %broadcast_in_dim3A_114 = vector.broadcast %jit3A_113 : f32 to vector<512x512xf32>
    %select_n3A_115 = arith.select %eq3A_112, %broadcast_in_dim3A_114, %select_n3A_107 : vector<512x512xi1>, vector<512x512xf32>
    %reduce_max3A_116 = arith.constant dense<0xFF800000> : vector<512xf32>
    %reduce_max3A_117 = vector.multi_reduction <maximumf>, %select_n3A_115, %reduce_max3A_116 [1] : vector<512x512xf32> to vector<512xf32>
    %broadcast_in_dim3A_118 = vector.shape_cast %reduce_max3A_117 : vector<512xf32> to vector<512x1xf32>
    %eq3A_119 = vector.broadcast %broadcast_in_dim3A_118 : vector<512x1xf32> to vector<512x512xf32>
    %eq3A_120 = arith.cmpf oeq, %select_n3A_115, %eq3A_119 : vector<512x512xf32>
    %jit3A_121 = arith.constant -3.000000e+38 : f32
    %broadcast_in_dim3A_122 = vector.broadcast %jit3A_121 : f32 to vector<512x512xf32>
    %select_n3A_123 = arith.select %eq3A_120, %broadcast_in_dim3A_122, %select_n3A_115 : vector<512x512xi1>, vector<512x512xf32>
    %reduce_max3A_124 = arith.constant dense<0xFF800000> : vector<512xf32>
    %reduce_max3A_125 = vector.multi_reduction <maximumf>, %select_n3A_123, %reduce_max3A_124 [1] : vector<512x512xf32> to vector<512xf32>
    %broadcast_in_dim3A_126 = vector.shape_cast %reduce_max3A_125 : vector<512xf32> to vector<512x1xf32>
    %eq3A_127 = vector.broadcast %broadcast_in_dim3A_126 : vector<512x1xf32> to vector<512x512xf32>
    %eq3A_128 = arith.cmpf oeq, %select_n3A_123, %eq3A_127 : vector<512x512xf32>
    %jit3A_129 = arith.constant -3.000000e+38 : f32
    %broadcast_in_dim3A_130 = vector.broadcast %jit3A_129 : f32 to vector<512x512xf32>
    %select_n3A_131 = arith.select %eq3A_128, %broadcast_in_dim3A_130, %select_n3A_123 : vector<512x512xi1>, vector<512x512xf32>
    %reduce_max3A_132 = arith.constant dense<0xFF800000> : vector<512xf32>
    %reduce_max3A_133 = vector.multi_reduction <maximumf>, %select_n3A_131, %reduce_max3A_132 [1] : vector<512x512xf32> to vector<512xf32>
    %broadcast_in_dim3A_134 = vector.shape_cast %reduce_max3A_133 : vector<512xf32> to vector<512x1xf32>
    %eq3A_135 = vector.broadcast %broadcast_in_dim3A_134 : vector<512x1xf32> to vector<512x512xf32>
    %eq3A_136 = arith.cmpf oeq, %select_n3A_131, %eq3A_135 : vector<512x512xf32>
    %jit3A_137 = arith.constant -3.000000e+38 : f32
    %broadcast_in_dim3A_138 = vector.broadcast %jit3A_137 : f32 to vector<512x512xf32>
    %select_n3A_139 = arith.select %eq3A_136, %broadcast_in_dim3A_138, %select_n3A_131 : vector<512x512xi1>, vector<512x512xf32>
    %reduce_max3A_140 = arith.constant dense<0xFF800000> : vector<512xf32>
    %reduce_max3A_141 = vector.multi_reduction <maximumf>, %select_n3A_139, %reduce_max3A_140 [1] : vector<512x512xf32> to vector<512xf32>
    %broadcast_in_dim3A_142 = vector.shape_cast %reduce_max3A_141 : vector<512xf32> to vector<512x1xf32>
    %eq3A_143 = vector.broadcast %broadcast_in_dim3A_142 : vector<512x1xf32> to vector<512x512xf32>
    %eq3A_144 = arith.cmpf oeq, %select_n3A_139, %eq3A_143 : vector<512x512xf32>
    %jit3A_145 = arith.constant -3.000000e+38 : f32
    %broadcast_in_dim3A_146 = vector.broadcast %jit3A_145 : f32 to vector<512x512xf32>
    %select_n3A_147 = arith.select %eq3A_144, %broadcast_in_dim3A_146, %select_n3A_139 : vector<512x512xi1>, vector<512x512xf32>
    %reduce_max3A_148 = arith.constant dense<0xFF800000> : vector<512xf32>
    %reduce_max3A_149 = vector.multi_reduction <maximumf>, %select_n3A_147, %reduce_max3A_148 [1] : vector<512x512xf32> to vector<512xf32>
    %broadcast_in_dim3A_150 = vector.shape_cast %reduce_max3A_149 : vector<512xf32> to vector<512x1xf32>
    %eq3A_151 = vector.broadcast %broadcast_in_dim3A_150 : vector<512x1xf32> to vector<512x512xf32>
    %eq3A_152 = arith.cmpf oeq, %select_n3A_147, %eq3A_151 : vector<512x512xf32>
    %jit3A_153 = arith.constant -3.000000e+38 : f32
    %broadcast_in_dim3A_154 = vector.broadcast %jit3A_153 : f32 to vector<512x512xf32>
    %select_n3A_155 = arith.select %eq3A_152, %broadcast_in_dim3A_154, %select_n3A_147 : vector<512x512xi1>, vector<512x512xf32>
    %reduce_max3A_156 = arith.constant dense<0xFF800000> : vector<512xf32>
    %reduce_max3A_157 = vector.multi_reduction <maximumf>, %select_n3A_155, %reduce_max3A_156 [1] : vector<512x512xf32> to vector<512xf32>
    %broadcast_in_dim3A_158 = vector.shape_cast %reduce_max3A_157 : vector<512xf32> to vector<512x1xf32>
    %slice3A_159 = vector.extract_strided_slice %bitcast_convert_type3A_39 {offsets = [0, 1024], sizes = [512, 512], strides = [1, 1]} : vector<512x4096xf32> to vector<512x512xf32>
    %reduce_max3A_160 = arith.constant dense<0xFF800000> : vector<512xf32>
    %reduce_max3A_161 = vector.multi_reduction <maximumf>, %slice3A_159, %reduce_max3A_160 [1] : vector<512x512xf32> to vector<512xf32>
    %broadcast_in_dim3A_162 = vector.shape_cast %reduce_max3A_161 : vector<512xf32> to vector<512x1xf32>
    %eq3A_163 = vector.broadcast %broadcast_in_dim3A_162 : vector<512x1xf32> to vector<512x512xf32>
    %eq3A_164 = arith.cmpf oeq, %slice3A_159, %eq3A_163 : vector<512x512xf32>
    %jit3A_165 = arith.constant -3.000000e+38 : f32
    %broadcast_in_dim3A_166 = vector.broadcast %jit3A_165 : f32 to vector<512x512xf32>
    %select_n3A_167 = arith.select %eq3A_164, %broadcast_in_dim3A_166, %slice3A_159 : vector<512x512xi1>, vector<512x512xf32>
    %reduce_max3A_168 = arith.constant dense<0xFF800000> : vector<512xf32>
    %reduce_max3A_169 = vector.multi_reduction <maximumf>, %select_n3A_167, %reduce_max3A_168 [1] : vector<512x512xf32> to vector<512xf32>
    %broadcast_in_dim3A_170 = vector.shape_cast %reduce_max3A_169 : vector<512xf32> to vector<512x1xf32>
    %eq3A_171 = vector.broadcast %broadcast_in_dim3A_170 : vector<512x1xf32> to vector<512x512xf32>
    %eq3A_172 = arith.cmpf oeq, %select_n3A_167, %eq3A_171 : vector<512x512xf32>
    %jit3A_173 = arith.constant -3.000000e+38 : f32
    %broadcast_in_dim3A_174 = vector.broadcast %jit3A_173 : f32 to vector<512x512xf32>
    %select_n3A_175 = arith.select %eq3A_172, %broadcast_in_dim3A_174, %select_n3A_167 : vector<512x512xi1>, vector<512x512xf32>
    %reduce_max3A_176 = arith.constant dense<0xFF800000> : vector<512xf32>
    %reduce_max3A_177 = vector.multi_reduction <maximumf>, %select_n3A_175, %reduce_max3A_176 [1] : vector<512x512xf32> to vector<512xf32>
    %broadcast_in_dim3A_178 = vector.shape_cast %reduce_max3A_177 : vector<512xf32> to vector<512x1xf32>
    %eq3A_179 = vector.broadcast %broadcast_in_dim3A_178 : vector<512x1xf32> to vector<512x512xf32>
    %eq3A_180 = arith.cmpf oeq, %select_n3A_175, %eq3A_179 : vector<512x512xf32>
    %jit3A_181 = arith.constant -3.000000e+38 : f32
    %broadcast_in_dim3A_182 = vector.broadcast %jit3A_181 : f32 to vector<512x512xf32>
    %select_n3A_183 = arith.select %eq3A_180, %broadcast_in_dim3A_182, %select_n3A_175 : vector<512x512xi1>, vector<512x512xf32>
    %reduce_max3A_184 = arith.constant dense<0xFF800000> : vector<512xf32>
    %reduce_max3A_185 = vector.multi_reduction <maximumf>, %select_n3A_183, %reduce_max3A_184 [1] : vector<512x512xf32> to vector<512xf32>
    %broadcast_in_dim3A_186 = vector.shape_cast %reduce_max3A_185 : vector<512xf32> to vector<512x1xf32>
    %eq3A_187 = vector.broadcast %broadcast_in_dim3A_186 : vector<512x1xf32> to vector<512x512xf32>
    %eq3A_188 = arith.cmpf oeq, %select_n3A_183, %eq3A_187 : vector<512x512xf32>
    %jit3A_189 = arith.constant -3.000000e+38 : f32
    %broadcast_in_dim3A_190 = vector.broadcast %jit3A_189 : f32 to vector<512x512xf32>
    %select_n3A_191 = arith.select %eq3A_188, %broadcast_in_dim3A_190, %select_n3A_183 : vector<512x512xi1>, vector<512x512xf32>
    %reduce_max3A_192 = arith.constant dense<0xFF800000> : vector<512xf32>
    %reduce_max3A_193 = vector.multi_reduction <maximumf>, %select_n3A_191, %reduce_max3A_192 [1] : vector<512x512xf32> to vector<512xf32>
    %broadcast_in_dim3A_194 = vector.shape_cast %reduce_max3A_193 : vector<512xf32> to vector<512x1xf32>
    %eq3A_195 = vector.broadcast %broadcast_in_dim3A_194 : vector<512x1xf32> to vector<512x512xf32>
    %eq3A_196 = arith.cmpf oeq, %select_n3A_191, %eq3A_195 : vector<512x512xf32>
    %jit3A_197 = arith.constant -3.000000e+38 : f32
    %broadcast_in_dim3A_198 = vector.broadcast %jit3A_197 : f32 to vector<512x512xf32>
    %select_n3A_199 = arith.select %eq3A_196, %broadcast_in_dim3A_198, %select_n3A_191 : vector<512x512xi1>, vector<512x512xf32>
    %reduce_max3A_200 = arith.constant dense<0xFF800000> : vector<512xf32>
    %reduce_max3A_201 = vector.multi_reduction <maximumf>, %select_n3A_199, %reduce_max3A_200 [1] : vector<512x512xf32> to vector<512xf32>
    %broadcast_in_dim3A_202 = vector.shape_cast %reduce_max3A_201 : vector<512xf32> to vector<512x1xf32>
    %eq3A_203 = vector.broadcast %broadcast_in_dim3A_202 : vector<512x1xf32> to vector<512x512xf32>
    %eq3A_204 = arith.cmpf oeq, %select_n3A_199, %eq3A_203 : vector<512x512xf32>
    %jit3A_205 = arith.constant -3.000000e+38 : f32
    %broadcast_in_dim3A_206 = vector.broadcast %jit3A_205 : f32 to vector<512x512xf32>
    %select_n3A_207 = arith.select %eq3A_204, %broadcast_in_dim3A_206, %select_n3A_199 : vector<512x512xi1>, vector<512x512xf32>
    %reduce_max3A_208 = arith.constant dense<0xFF800000> : vector<512xf32>
    %reduce_max3A_209 = vector.multi_reduction <maximumf>, %select_n3A_207, %reduce_max3A_208 [1] : vector<512x512xf32> to vector<512xf32>
    %broadcast_in_dim3A_210 = vector.shape_cast %reduce_max3A_209 : vector<512xf32> to vector<512x1xf32>
    %eq3A_211 = vector.broadcast %broadcast_in_dim3A_210 : vector<512x1xf32> to vector<512x512xf32>
    %eq3A_212 = arith.cmpf oeq, %select_n3A_207, %eq3A_211 : vector<512x512xf32>
    %jit3A_213 = arith.constant -3.000000e+38 : f32
    %broadcast_in_dim3A_214 = vector.broadcast %jit3A_213 : f32 to vector<512x512xf32>
    %select_n3A_215 = arith.select %eq3A_212, %broadcast_in_dim3A_214, %select_n3A_207 : vector<512x512xi1>, vector<512x512xf32>
    %reduce_max3A_216 = arith.constant dense<0xFF800000> : vector<512xf32>
    %reduce_max3A_217 = vector.multi_reduction <maximumf>, %select_n3A_215, %reduce_max3A_216 [1] : vector<512x512xf32> to vector<512xf32>
    %broadcast_in_dim3A_218 = vector.shape_cast %reduce_max3A_217 : vector<512xf32> to vector<512x1xf32>
    %slice3A_219 = vector.extract_strided_slice %bitcast_convert_type3A_39 {offsets = [0, 1536], sizes = [512, 512], strides = [1, 1]} : vector<512x4096xf32> to vector<512x512xf32>
    %reduce_max3A_220 = arith.constant dense<0xFF800000> : vector<512xf32>
    %reduce_max3A_221 = vector.multi_reduction <maximumf>, %slice3A_219, %reduce_max3A_220 [1] : vector<512x512xf32> to vector<512xf32>
    %broadcast_in_dim3A_222 = vector.shape_cast %reduce_max3A_221 : vector<512xf32> to vector<512x1xf32>
    %eq3A_223 = vector.broadcast %broadcast_in_dim3A_222 : vector<512x1xf32> to vector<512x512xf32>
    %eq3A_224 = arith.cmpf oeq, %slice3A_219, %eq3A_223 : vector<512x512xf32>
    %jit3A_225 = arith.constant -3.000000e+38 : f32
    %broadcast_in_dim3A_226 = vector.broadcast %jit3A_225 : f32 to vector<512x512xf32>
    %select_n3A_227 = arith.select %eq3A_224, %broadcast_in_dim3A_226, %slice3A_219 : vector<512x512xi1>, vector<512x512xf32>
    %reduce_max3A_228 = arith.constant dense<0xFF800000> : vector<512xf32>
    %reduce_max3A_229 = vector.multi_reduction <maximumf>, %select_n3A_227, %reduce_max3A_228 [1] : vector<512x512xf32> to vector<512xf32>
    %broadcast_in_dim3A_230 = vector.shape_cast %reduce_max3A_229 : vector<512xf32> to vector<512x1xf32>
    %eq3A_231 = vector.broadcast %broadcast_in_dim3A_230 : vector<512x1xf32> to vector<512x512xf32>
    %eq3A_232 = arith.cmpf oeq, %select_n3A_227, %eq3A_231 : vector<512x512xf32>
    %jit3A_233 = arith.constant -3.000000e+38 : f32
    %broadcast_in_dim3A_234 = vector.broadcast %jit3A_233 : f32 to vector<512x512xf32>
    %select_n3A_235 = arith.select %eq3A_232, %broadcast_in_dim3A_234, %select_n3A_227 : vector<512x512xi1>, vector<512x512xf32>
    %reduce_max3A_236 = arith.constant dense<0xFF800000> : vector<512xf32>
    %reduce_max3A_237 = vector.multi_reduction <maximumf>, %select_n3A_235, %reduce_max3A_236 [1] : vector<512x512xf32> to vector<512xf32>
    %broadcast_in_dim3A_238 = vector.shape_cast %reduce_max3A_237 : vector<512xf32> to vector<512x1xf32>
    %eq3A_239 = vector.broadcast %broadcast_in_dim3A_238 : vector<512x1xf32> to vector<512x512xf32>
    %eq3A_240 = arith.cmpf oeq, %select_n3A_235, %eq3A_239 : vector<512x512xf32>
    %jit3A_241 = arith.constant -3.000000e+38 : f32
    %broadcast_in_dim3A_242 = vector.broadcast %jit3A_241 : f32 to vector<512x512xf32>
    %select_n3A_243 = arith.select %eq3A_240, %broadcast_in_dim3A_242, %select_n3A_235 : vector<512x512xi1>, vector<512x512xf32>
    %reduce_max3A_244 = arith.constant dense<0xFF800000> : vector<512xf32>
    %reduce_max3A_245 = vector.multi_reduction <maximumf>, %select_n3A_243, %reduce_max3A_244 [1] : vector<512x512xf32> to vector<512xf32>
    %broadcast_in_dim3A_246 = vector.shape_cast %reduce_max3A_245 : vector<512xf32> to vector<512x1xf32>
    %eq3A_247 = vector.broadcast %broadcast_in_dim3A_246 : vector<512x1xf32> to vector<512x512xf32>
    %eq3A_248 = arith.cmpf oeq, %select_n3A_243, %eq3A_247 : vector<512x512xf32>
    %jit3A_249 = arith.constant -3.000000e+38 : f32
    %broadcast_in_dim3A_250 = vector.broadcast %jit3A_249 : f32 to vector<512x512xf32>
    %select_n3A_251 = arith.select %eq3A_248, %broadcast_in_dim3A_250, %select_n3A_243 : vector<512x512xi1>, vector<512x512xf32>
    %reduce_max3A_252 = arith.constant dense<0xFF800000> : vector<512xf32>
    %reduce_max3A_253 = vector.multi_reduction <maximumf>, %select_n3A_251, %reduce_max3A_252 [1] : vector<512x512xf32> to vector<512xf32>
    %broadcast_in_dim3A_254 = vector.shape_cast %reduce_max3A_253 : vector<512xf32> to vector<512x1xf32>
    %eq3A_255 = vector.broadcast %broadcast_in_dim3A_254 : vector<512x1xf32> to vector<512x512xf32>
    %eq3A_256 = arith.cmpf oeq, %select_n3A_251, %eq3A_255 : vector<512x512xf32>
    %jit3A_257 = arith.constant -3.000000e+38 : f32
    %broadcast_in_dim3A_258 = vector.broadcast %jit3A_257 : f32 to vector<512x512xf32>
    %select_n3A_259 = arith.select %eq3A_256, %broadcast_in_dim3A_258, %select_n3A_251 : vector<512x512xi1>, vector<512x512xf32>
    %reduce_max3A_260 = arith.constant dense<0xFF800000> : vector<512xf32>
    %reduce_max3A_261 = vector.multi_reduction <maximumf>, %select_n3A_259, %reduce_max3A_260 [1] : vector<512x512xf32> to vector<512xf32>
    %broadcast_in_dim3A_262 = vector.shape_cast %reduce_max3A_261 : vector<512xf32> to vector<512x1xf32>
    %eq3A_263 = vector.broadcast %broadcast_in_dim3A_262 : vector<512x1xf32> to vector<512x512xf32>
    %eq3A_264 = arith.cmpf oeq, %select_n3A_259, %eq3A_263 : vector<512x512xf32>
    %jit3A_265 = arith.constant -3.000000e+38 : f32
    %broadcast_in_dim3A_266 = vector.broadcast %jit3A_265 : f32 to vector<512x512xf32>
    %select_n3A_267 = arith.select %eq3A_264, %broadcast_in_dim3A_266, %select_n3A_259 : vector<512x512xi1>, vector<512x512xf32>
    %reduce_max3A_268 = arith.constant dense<0xFF800000> : vector<512xf32>
    %reduce_max3A_269 = vector.multi_reduction <maximumf>, %select_n3A_267, %reduce_max3A_268 [1] : vector<512x512xf32> to vector<512xf32>
    %broadcast_in_dim3A_270 = vector.shape_cast %reduce_max3A_269 : vector<512xf32> to vector<512x1xf32>
    %eq3A_271 = vector.broadcast %broadcast_in_dim3A_270 : vector<512x1xf32> to vector<512x512xf32>
    %eq3A_272 = arith.cmpf oeq, %select_n3A_267, %eq3A_271 : vector<512x512xf32>
    %jit3A_273 = arith.constant -3.000000e+38 : f32
    %broadcast_in_dim3A_274 = vector.broadcast %jit3A_273 : f32 to vector<512x512xf32>
    %select_n3A_275 = arith.select %eq3A_272, %broadcast_in_dim3A_274, %select_n3A_267 : vector<512x512xi1>, vector<512x512xf32>
    %reduce_max3A_276 = arith.constant dense<0xFF800000> : vector<512xf32>
    %reduce_max3A_277 = vector.multi_reduction <maximumf>, %select_n3A_275, %reduce_max3A_276 [1] : vector<512x512xf32> to vector<512xf32>
    %broadcast_in_dim3A_278 = vector.shape_cast %reduce_max3A_277 : vector<512xf32> to vector<512x1xf32>
    %slice3A_279 = vector.extract_strided_slice %bitcast_convert_type3A_39 {offsets = [0, 2048], sizes = [512, 512], strides = [1, 1]} : vector<512x4096xf32> to vector<512x512xf32>
    %reduce_max3A_280 = arith.constant dense<0xFF800000> : vector<512xf32>
    %reduce_max3A_281 = vector.multi_reduction <maximumf>, %slice3A_279, %reduce_max3A_280 [1] : vector<512x512xf32> to vector<512xf32>
    %broadcast_in_dim3A_282 = vector.shape_cast %reduce_max3A_281 : vector<512xf32> to vector<512x1xf32>
    %eq3A_283 = vector.broadcast %broadcast_in_dim3A_282 : vector<512x1xf32> to vector<512x512xf32>
    %eq3A_284 = arith.cmpf oeq, %slice3A_279, %eq3A_283 : vector<512x512xf32>
    %jit3A_285 = arith.constant -3.000000e+38 : f32
    %broadcast_in_dim3A_286 = vector.broadcast %jit3A_285 : f32 to vector<512x512xf32>
    %select_n3A_287 = arith.select %eq3A_284, %broadcast_in_dim3A_286, %slice3A_279 : vector<512x512xi1>, vector<512x512xf32>
    %reduce_max3A_288 = arith.constant dense<0xFF800000> : vector<512xf32>
    %reduce_max3A_289 = vector.multi_reduction <maximumf>, %select_n3A_287, %reduce_max3A_288 [1] : vector<512x512xf32> to vector<512xf32>
    %broadcast_in_dim3A_290 = vector.shape_cast %reduce_max3A_289 : vector<512xf32> to vector<512x1xf32>
    %eq3A_291 = vector.broadcast %broadcast_in_dim3A_290 : vector<512x1xf32> to vector<512x512xf32>
    %eq3A_292 = arith.cmpf oeq, %select_n3A_287, %eq3A_291 : vector<512x512xf32>
    %jit3A_293 = arith.constant -3.000000e+38 : f32
    %broadcast_in_dim3A_294 = vector.broadcast %jit3A_293 : f32 to vector<512x512xf32>
    %select_n3A_295 = arith.select %eq3A_292, %broadcast_in_dim3A_294, %select_n3A_287 : vector<512x512xi1>, vector<512x512xf32>
    %reduce_max3A_296 = arith.constant dense<0xFF800000> : vector<512xf32>
    %reduce_max3A_297 = vector.multi_reduction <maximumf>, %select_n3A_295, %reduce_max3A_296 [1] : vector<512x512xf32> to vector<512xf32>
    %broadcast_in_dim3A_298 = vector.shape_cast %reduce_max3A_297 : vector<512xf32> to vector<512x1xf32>
    %eq3A_299 = vector.broadcast %broadcast_in_dim3A_298 : vector<512x1xf32> to vector<512x512xf32>
    %eq3A_300 = arith.cmpf oeq, %select_n3A_295, %eq3A_299 : vector<512x512xf32>
    %jit3A_301 = arith.constant -3.000000e+38 : f32
    %broadcast_in_dim3A_302 = vector.broadcast %jit3A_301 : f32 to vector<512x512xf32>
    %select_n3A_303 = arith.select %eq3A_300, %broadcast_in_dim3A_302, %select_n3A_295 : vector<512x512xi1>, vector<512x512xf32>
    %reduce_max3A_304 = arith.constant dense<0xFF800000> : vector<512xf32>
    %reduce_max3A_305 = vector.multi_reduction <maximumf>, %select_n3A_303, %reduce_max3A_304 [1] : vector<512x512xf32> to vector<512xf32>
    %broadcast_in_dim3A_306 = vector.shape_cast %reduce_max3A_305 : vector<512xf32> to vector<512x1xf32>
    %eq3A_307 = vector.broadcast %broadcast_in_dim3A_306 : vector<512x1xf32> to vector<512x512xf32>
    %eq3A_308 = arith.cmpf oeq, %select_n3A_303, %eq3A_307 : vector<512x512xf32>
    %jit3A_309 = arith.constant -3.000000e+38 : f32
    %broadcast_in_dim3A_310 = vector.broadcast %jit3A_309 : f32 to vector<512x512xf32>
    %select_n3A_311 = arith.select %eq3A_308, %broadcast_in_dim3A_310, %select_n3A_303 : vector<512x512xi1>, vector<512x512xf32>
    %reduce_max3A_312 = arith.constant dense<0xFF800000> : vector<512xf32>
    %reduce_max3A_313 = vector.multi_reduction <maximumf>, %select_n3A_311, %reduce_max3A_312 [1] : vector<512x512xf32> to vector<512xf32>
    %broadcast_in_dim3A_314 = vector.shape_cast %reduce_max3A_313 : vector<512xf32> to vector<512x1xf32>
    %eq3A_315 = vector.broadcast %broadcast_in_dim3A_314 : vector<512x1xf32> to vector<512x512xf32>
    %eq3A_316 = arith.cmpf oeq, %select_n3A_311, %eq3A_315 : vector<512x512xf32>
    %jit3A_317 = arith.constant -3.000000e+38 : f32
    %broadcast_in_dim3A_318 = vector.broadcast %jit3A_317 : f32 to vector<512x512xf32>
    %select_n3A_319 = arith.select %eq3A_316, %broadcast_in_dim3A_318, %select_n3A_311 : vector<512x512xi1>, vector<512x512xf32>
    %reduce_max3A_320 = arith.constant dense<0xFF800000> : vector<512xf32>
    %reduce_max3A_321 = vector.multi_reduction <maximumf>, %select_n3A_319, %reduce_max3A_320 [1] : vector<512x512xf32> to vector<512xf32>
    %broadcast_in_dim3A_322 = vector.shape_cast %reduce_max3A_321 : vector<512xf32> to vector<512x1xf32>
    %eq3A_323 = vector.broadcast %broadcast_in_dim3A_322 : vector<512x1xf32> to vector<512x512xf32>
    %eq3A_324 = arith.cmpf oeq, %select_n3A_319, %eq3A_323 : vector<512x512xf32>
    %jit3A_325 = arith.constant -3.000000e+38 : f32
    %broadcast_in_dim3A_326 = vector.broadcast %jit3A_325 : f32 to vector<512x512xf32>
    %select_n3A_327 = arith.select %eq3A_324, %broadcast_in_dim3A_326, %select_n3A_319 : vector<512x512xi1>, vector<512x512xf32>
    %reduce_max3A_328 = arith.constant dense<0xFF800000> : vector<512xf32>
    %reduce_max3A_329 = vector.multi_reduction <maximumf>, %select_n3A_327, %reduce_max3A_328 [1] : vector<512x512xf32> to vector<512xf32>
    %broadcast_in_dim3A_330 = vector.shape_cast %reduce_max3A_329 : vector<512xf32> to vector<512x1xf32>
    %eq3A_331 = vector.broadcast %broadcast_in_dim3A_330 : vector<512x1xf32> to vector<512x512xf32>
    %eq3A_332 = arith.cmpf oeq, %select_n3A_327, %eq3A_331 : vector<512x512xf32>
    %jit3A_333 = arith.constant -3.000000e+38 : f32
    %broadcast_in_dim3A_334 = vector.broadcast %jit3A_333 : f32 to vector<512x512xf32>
    %select_n3A_335 = arith.select %eq3A_332, %broadcast_in_dim3A_334, %select_n3A_327 : vector<512x512xi1>, vector<512x512xf32>
    %reduce_max3A_336 = arith.constant dense<0xFF800000> : vector<512xf32>
    %reduce_max3A_337 = vector.multi_reduction <maximumf>, %select_n3A_335, %reduce_max3A_336 [1] : vector<512x512xf32> to vector<512xf32>
    %broadcast_in_dim3A_338 = vector.shape_cast %reduce_max3A_337 : vector<512xf32> to vector<512x1xf32>
    %slice3A_339 = vector.extract_strided_slice %bitcast_convert_type3A_39 {offsets = [0, 2560], sizes = [512, 512], strides = [1, 1]} : vector<512x4096xf32> to vector<512x512xf32>
    %reduce_max3A_340 = arith.constant dense<0xFF800000> : vector<512xf32>
    %reduce_max3A_341 = vector.multi_reduction <maximumf>, %slice3A_339, %reduce_max3A_340 [1] : vector<512x512xf32> to vector<512xf32>
    %broadcast_in_dim3A_342 = vector.shape_cast %reduce_max3A_341 : vector<512xf32> to vector<512x1xf32>
    %eq3A_343 = vector.broadcast %broadcast_in_dim3A_342 : vector<512x1xf32> to vector<512x512xf32>
    %eq3A_344 = arith.cmpf oeq, %slice3A_339, %eq3A_343 : vector<512x512xf32>
    %jit3A_345 = arith.constant -3.000000e+38 : f32
    %broadcast_in_dim3A_346 = vector.broadcast %jit3A_345 : f32 to vector<512x512xf32>
    %select_n3A_347 = arith.select %eq3A_344, %broadcast_in_dim3A_346, %slice3A_339 : vector<512x512xi1>, vector<512x512xf32>
    %reduce_max3A_348 = arith.constant dense<0xFF800000> : vector<512xf32>
    %reduce_max3A_349 = vector.multi_reduction <maximumf>, %select_n3A_347, %reduce_max3A_348 [1] : vector<512x512xf32> to vector<512xf32>
    %broadcast_in_dim3A_350 = vector.shape_cast %reduce_max3A_349 : vector<512xf32> to vector<512x1xf32>
    %eq3A_351 = vector.broadcast %broadcast_in_dim3A_350 : vector<512x1xf32> to vector<512x512xf32>
    %eq3A_352 = arith.cmpf oeq, %select_n3A_347, %eq3A_351 : vector<512x512xf32>
    %jit3A_353 = arith.constant -3.000000e+38 : f32
    %broadcast_in_dim3A_354 = vector.broadcast %jit3A_353 : f32 to vector<512x512xf32>
    %select_n3A_355 = arith.select %eq3A_352, %broadcast_in_dim3A_354, %select_n3A_347 : vector<512x512xi1>, vector<512x512xf32>
    %reduce_max3A_356 = arith.constant dense<0xFF800000> : vector<512xf32>
    %reduce_max3A_357 = vector.multi_reduction <maximumf>, %select_n3A_355, %reduce_max3A_356 [1] : vector<512x512xf32> to vector<512xf32>
    %broadcast_in_dim3A_358 = vector.shape_cast %reduce_max3A_357 : vector<512xf32> to vector<512x1xf32>
    %eq3A_359 = vector.broadcast %broadcast_in_dim3A_358 : vector<512x1xf32> to vector<512x512xf32>
    %eq3A_360 = arith.cmpf oeq, %select_n3A_355, %eq3A_359 : vector<512x512xf32>
    %jit3A_361 = arith.constant -3.000000e+38 : f32
    %broadcast_in_dim3A_362 = vector.broadcast %jit3A_361 : f32 to vector<512x512xf32>
    %select_n3A_363 = arith.select %eq3A_360, %broadcast_in_dim3A_362, %select_n3A_355 : vector<512x512xi1>, vector<512x512xf32>
    %reduce_max3A_364 = arith.constant dense<0xFF800000> : vector<512xf32>
    %reduce_max3A_365 = vector.multi_reduction <maximumf>, %select_n3A_363, %reduce_max3A_364 [1] : vector<512x512xf32> to vector<512xf32>
    %broadcast_in_dim3A_366 = vector.shape_cast %reduce_max3A_365 : vector<512xf32> to vector<512x1xf32>
    %eq3A_367 = vector.broadcast %broadcast_in_dim3A_366 : vector<512x1xf32> to vector<512x512xf32>
    %eq3A_368 = arith.cmpf oeq, %select_n3A_363, %eq3A_367 : vector<512x512xf32>
    %jit3A_369 = arith.constant -3.000000e+38 : f32
    %broadcast_in_dim3A_370 = vector.broadcast %jit3A_369 : f32 to vector<512x512xf32>
    %select_n3A_371 = arith.select %eq3A_368, %broadcast_in_dim3A_370, %select_n3A_363 : vector<512x512xi1>, vector<512x512xf32>
    %reduce_max3A_372 = arith.constant dense<0xFF800000> : vector<512xf32>
    %reduce_max3A_373 = vector.multi_reduction <maximumf>, %select_n3A_371, %reduce_max3A_372 [1] : vector<512x512xf32> to vector<512xf32>
    %broadcast_in_dim3A_374 = vector.shape_cast %reduce_max3A_373 : vector<512xf32> to vector<512x1xf32>
    %eq3A_375 = vector.broadcast %broadcast_in_dim3A_374 : vector<512x1xf32> to vector<512x512xf32>
    %eq3A_376 = arith.cmpf oeq, %select_n3A_371, %eq3A_375 : vector<512x512xf32>
    %jit3A_377 = arith.constant -3.000000e+38 : f32
    %broadcast_in_dim3A_378 = vector.broadcast %jit3A_377 : f32 to vector<512x512xf32>
    %select_n3A_379 = arith.select %eq3A_376, %broadcast_in_dim3A_378, %select_n3A_371 : vector<512x512xi1>, vector<512x512xf32>
    %reduce_max3A_380 = arith.constant dense<0xFF800000> : vector<512xf32>
    %reduce_max3A_381 = vector.multi_reduction <maximumf>, %select_n3A_379, %reduce_max3A_380 [1] : vector<512x512xf32> to vector<512xf32>
    %broadcast_in_dim3A_382 = vector.shape_cast %reduce_max3A_381 : vector<512xf32> to vector<512x1xf32>
    %eq3A_383 = vector.broadcast %broadcast_in_dim3A_382 : vector<512x1xf32> to vector<512x512xf32>
    %eq3A_384 = arith.cmpf oeq, %select_n3A_379, %eq3A_383 : vector<512x512xf32>
    %jit3A_385 = arith.constant -3.000000e+38 : f32
    %broadcast_in_dim3A_386 = vector.broadcast %jit3A_385 : f32 to vector<512x512xf32>
    %select_n3A_387 = arith.select %eq3A_384, %broadcast_in_dim3A_386, %select_n3A_379 : vector<512x512xi1>, vector<512x512xf32>
    %reduce_max3A_388 = arith.constant dense<0xFF800000> : vector<512xf32>
    %reduce_max3A_389 = vector.multi_reduction <maximumf>, %select_n3A_387, %reduce_max3A_388 [1] : vector<512x512xf32> to vector<512xf32>
    %broadcast_in_dim3A_390 = vector.shape_cast %reduce_max3A_389 : vector<512xf32> to vector<512x1xf32>
    %eq3A_391 = vector.broadcast %broadcast_in_dim3A_390 : vector<512x1xf32> to vector<512x512xf32>
    %eq3A_392 = arith.cmpf oeq, %select_n3A_387, %eq3A_391 : vector<512x512xf32>
    %jit3A_393 = arith.constant -3.000000e+38 : f32
    %broadcast_in_dim3A_394 = vector.broadcast %jit3A_393 : f32 to vector<512x512xf32>
    %select_n3A_395 = arith.select %eq3A_392, %broadcast_in_dim3A_394, %select_n3A_387 : vector<512x512xi1>, vector<512x512xf32>
    %reduce_max3A_396 = arith.constant dense<0xFF800000> : vector<512xf32>
    %reduce_max3A_397 = vector.multi_reduction <maximumf>, %select_n3A_395, %reduce_max3A_396 [1] : vector<512x512xf32> to vector<512xf32>
    %broadcast_in_dim3A_398 = vector.shape_cast %reduce_max3A_397 : vector<512xf32> to vector<512x1xf32>
    %slice3A_399 = vector.extract_strided_slice %bitcast_convert_type3A_39 {offsets = [0, 3072], sizes = [512, 512], strides = [1, 1]} : vector<512x4096xf32> to vector<512x512xf32>
    %reduce_max3A_400 = arith.constant dense<0xFF800000> : vector<512xf32>
    %reduce_max3A_401 = vector.multi_reduction <maximumf>, %slice3A_399, %reduce_max3A_400 [1] : vector<512x512xf32> to vector<512xf32>
    %broadcast_in_dim3A_402 = vector.shape_cast %reduce_max3A_401 : vector<512xf32> to vector<512x1xf32>
    %eq3A_403 = vector.broadcast %broadcast_in_dim3A_402 : vector<512x1xf32> to vector<512x512xf32>
    %eq3A_404 = arith.cmpf oeq, %slice3A_399, %eq3A_403 : vector<512x512xf32>
    %jit3A_405 = arith.constant -3.000000e+38 : f32
    %broadcast_in_dim3A_406 = vector.broadcast %jit3A_405 : f32 to vector<512x512xf32>
    %select_n3A_407 = arith.select %eq3A_404, %broadcast_in_dim3A_406, %slice3A_399 : vector<512x512xi1>, vector<512x512xf32>
    %reduce_max3A_408 = arith.constant dense<0xFF800000> : vector<512xf32>
    %reduce_max3A_409 = vector.multi_reduction <maximumf>, %select_n3A_407, %reduce_max3A_408 [1] : vector<512x512xf32> to vector<512xf32>
    %broadcast_in_dim3A_410 = vector.shape_cast %reduce_max3A_409 : vector<512xf32> to vector<512x1xf32>
    %eq3A_411 = vector.broadcast %broadcast_in_dim3A_410 : vector<512x1xf32> to vector<512x512xf32>
    %eq3A_412 = arith.cmpf oeq, %select_n3A_407, %eq3A_411 : vector<512x512xf32>
    %jit3A_413 = arith.constant -3.000000e+38 : f32
    %broadcast_in_dim3A_414 = vector.broadcast %jit3A_413 : f32 to vector<512x512xf32>
    %select_n3A_415 = arith.select %eq3A_412, %broadcast_in_dim3A_414, %select_n3A_407 : vector<512x512xi1>, vector<512x512xf32>
    %reduce_max3A_416 = arith.constant dense<0xFF800000> : vector<512xf32>
    %reduce_max3A_417 = vector.multi_reduction <maximumf>, %select_n3A_415, %reduce_max3A_416 [1] : vector<512x512xf32> to vector<512xf32>
    %broadcast_in_dim3A_418 = vector.shape_cast %reduce_max3A_417 : vector<512xf32> to vector<512x1xf32>
    %eq3A_419 = vector.broadcast %broadcast_in_dim3A_418 : vector<512x1xf32> to vector<512x512xf32>
    %eq3A_420 = arith.cmpf oeq, %select_n3A_415, %eq3A_419 : vector<512x512xf32>
    %jit3A_421 = arith.constant -3.000000e+38 : f32
    %broadcast_in_dim3A_422 = vector.broadcast %jit3A_421 : f32 to vector<512x512xf32>
    %select_n3A_423 = arith.select %eq3A_420, %broadcast_in_dim3A_422, %select_n3A_415 : vector<512x512xi1>, vector<512x512xf32>
    %reduce_max3A_424 = arith.constant dense<0xFF800000> : vector<512xf32>
    %reduce_max3A_425 = vector.multi_reduction <maximumf>, %select_n3A_423, %reduce_max3A_424 [1] : vector<512x512xf32> to vector<512xf32>
    %broadcast_in_dim3A_426 = vector.shape_cast %reduce_max3A_425 : vector<512xf32> to vector<512x1xf32>
    %eq3A_427 = vector.broadcast %broadcast_in_dim3A_426 : vector<512x1xf32> to vector<512x512xf32>
    %eq3A_428 = arith.cmpf oeq, %select_n3A_423, %eq3A_427 : vector<512x512xf32>
    %jit3A_429 = arith.constant -3.000000e+38 : f32
    %broadcast_in_dim3A_430 = vector.broadcast %jit3A_429 : f32 to vector<512x512xf32>
    %select_n3A_431 = arith.select %eq3A_428, %broadcast_in_dim3A_430, %select_n3A_423 : vector<512x512xi1>, vector<512x512xf32>
    %reduce_max3A_432 = arith.constant dense<0xFF800000> : vector<512xf32>
    %reduce_max3A_433 = vector.multi_reduction <maximumf>, %select_n3A_431, %reduce_max3A_432 [1] : vector<512x512xf32> to vector<512xf32>
    %broadcast_in_dim3A_434 = vector.shape_cast %reduce_max3A_433 : vector<512xf32> to vector<512x1xf32>
    %eq3A_435 = vector.broadcast %broadcast_in_dim3A_434 : vector<512x1xf32> to vector<512x512xf32>
    %eq3A_436 = arith.cmpf oeq, %select_n3A_431, %eq3A_435 : vector<512x512xf32>
    %jit3A_437 = arith.constant -3.000000e+38 : f32
    %broadcast_in_dim3A_438 = vector.broadcast %jit3A_437 : f32 to vector<512x512xf32>
    %select_n3A_439 = arith.select %eq3A_436, %broadcast_in_dim3A_438, %select_n3A_431 : vector<512x512xi1>, vector<512x512xf32>
    %reduce_max3A_440 = arith.constant dense<0xFF800000> : vector<512xf32>
    %reduce_max3A_441 = vector.multi_reduction <maximumf>, %select_n3A_439, %reduce_max3A_440 [1] : vector<512x512xf32> to vector<512xf32>
    %broadcast_in_dim3A_442 = vector.shape_cast %reduce_max3A_441 : vector<512xf32> to vector<512x1xf32>
    %eq3A_443 = vector.broadcast %broadcast_in_dim3A_442 : vector<512x1xf32> to vector<512x512xf32>
    %eq3A_444 = arith.cmpf oeq, %select_n3A_439, %eq3A_443 : vector<512x512xf32>
    %jit3A_445 = arith.constant -3.000000e+38 : f32
    %broadcast_in_dim3A_446 = vector.broadcast %jit3A_445 : f32 to vector<512x512xf32>
    %select_n3A_447 = arith.select %eq3A_444, %broadcast_in_dim3A_446, %select_n3A_439 : vector<512x512xi1>, vector<512x512xf32>
    %reduce_max3A_448 = arith.constant dense<0xFF800000> : vector<512xf32>
    %reduce_max3A_449 = vector.multi_reduction <maximumf>, %select_n3A_447, %reduce_max3A_448 [1] : vector<512x512xf32> to vector<512xf32>
    %broadcast_in_dim3A_450 = vector.shape_cast %reduce_max3A_449 : vector<512xf32> to vector<512x1xf32>
    %eq3A_451 = vector.broadcast %broadcast_in_dim3A_450 : vector<512x1xf32> to vector<512x512xf32>
    %eq3A_452 = arith.cmpf oeq, %select_n3A_447, %eq3A_451 : vector<512x512xf32>
    %jit3A_453 = arith.constant -3.000000e+38 : f32
    %broadcast_in_dim3A_454 = vector.broadcast %jit3A_453 : f32 to vector<512x512xf32>
    %select_n3A_455 = arith.select %eq3A_452, %broadcast_in_dim3A_454, %select_n3A_447 : vector<512x512xi1>, vector<512x512xf32>
    %reduce_max3A_456 = arith.constant dense<0xFF800000> : vector<512xf32>
    %reduce_max3A_457 = vector.multi_reduction <maximumf>, %select_n3A_455, %reduce_max3A_456 [1] : vector<512x512xf32> to vector<512xf32>
    %broadcast_in_dim3A_458 = vector.shape_cast %reduce_max3A_457 : vector<512xf32> to vector<512x1xf32>
    %slice3A_459 = vector.extract_strided_slice %bitcast_convert_type3A_39 {offsets = [0, 3584], sizes = [512, 512], strides = [1, 1]} : vector<512x4096xf32> to vector<512x512xf32>
    %reduce_max3A_460 = arith.constant dense<0xFF800000> : vector<512xf32>
    %reduce_max3A_461 = vector.multi_reduction <maximumf>, %slice3A_459, %reduce_max3A_460 [1] : vector<512x512xf32> to vector<512xf32>
    %broadcast_in_dim3A_462 = vector.shape_cast %reduce_max3A_461 : vector<512xf32> to vector<512x1xf32>
    %eq3A_463 = vector.broadcast %broadcast_in_dim3A_462 : vector<512x1xf32> to vector<512x512xf32>
    %eq3A_464 = arith.cmpf oeq, %slice3A_459, %eq3A_463 : vector<512x512xf32>
    %jit3A_465 = arith.constant -3.000000e+38 : f32
    %broadcast_in_dim3A_466 = vector.broadcast %jit3A_465 : f32 to vector<512x512xf32>
    %select_n3A_467 = arith.select %eq3A_464, %broadcast_in_dim3A_466, %slice3A_459 : vector<512x512xi1>, vector<512x512xf32>
    %reduce_max3A_468 = arith.constant dense<0xFF800000> : vector<512xf32>
    %reduce_max3A_469 = vector.multi_reduction <maximumf>, %select_n3A_467, %reduce_max3A_468 [1] : vector<512x512xf32> to vector<512xf32>
    %broadcast_in_dim3A_470 = vector.shape_cast %reduce_max3A_469 : vector<512xf32> to vector<512x1xf32>
    %eq3A_471 = vector.broadcast %broadcast_in_dim3A_470 : vector<512x1xf32> to vector<512x512xf32>
    %eq3A_472 = arith.cmpf oeq, %select_n3A_467, %eq3A_471 : vector<512x512xf32>
    %jit3A_473 = arith.constant -3.000000e+38 : f32
    %broadcast_in_dim3A_474 = vector.broadcast %jit3A_473 : f32 to vector<512x512xf32>
    %select_n3A_475 = arith.select %eq3A_472, %broadcast_in_dim3A_474, %select_n3A_467 : vector<512x512xi1>, vector<512x512xf32>
    %reduce_max3A_476 = arith.constant dense<0xFF800000> : vector<512xf32>
    %reduce_max3A_477 = vector.multi_reduction <maximumf>, %select_n3A_475, %reduce_max3A_476 [1] : vector<512x512xf32> to vector<512xf32>
    %broadcast_in_dim3A_478 = vector.shape_cast %reduce_max3A_477 : vector<512xf32> to vector<512x1xf32>
    %eq3A_479 = vector.broadcast %broadcast_in_dim3A_478 : vector<512x1xf32> to vector<512x512xf32>
    %eq3A_480 = arith.cmpf oeq, %select_n3A_475, %eq3A_479 : vector<512x512xf32>
    %jit3A_481 = arith.constant -3.000000e+38 : f32
    %broadcast_in_dim3A_482 = vector.broadcast %jit3A_481 : f32 to vector<512x512xf32>
    %select_n3A_483 = arith.select %eq3A_480, %broadcast_in_dim3A_482, %select_n3A_475 : vector<512x512xi1>, vector<512x512xf32>
    %reduce_max3A_484 = arith.constant dense<0xFF800000> : vector<512xf32>
    %reduce_max3A_485 = vector.multi_reduction <maximumf>, %select_n3A_483, %reduce_max3A_484 [1] : vector<512x512xf32> to vector<512xf32>
    %broadcast_in_dim3A_486 = vector.shape_cast %reduce_max3A_485 : vector<512xf32> to vector<512x1xf32>
    %eq3A_487 = vector.broadcast %broadcast_in_dim3A_486 : vector<512x1xf32> to vector<512x512xf32>
    %eq3A_488 = arith.cmpf oeq, %select_n3A_483, %eq3A_487 : vector<512x512xf32>
    %jit3A_489 = arith.constant -3.000000e+38 : f32
    %broadcast_in_dim3A_490 = vector.broadcast %jit3A_489 : f32 to vector<512x512xf32>
    %select_n3A_491 = arith.select %eq3A_488, %broadcast_in_dim3A_490, %select_n3A_483 : vector<512x512xi1>, vector<512x512xf32>
    %reduce_max3A_492 = arith.constant dense<0xFF800000> : vector<512xf32>
    %reduce_max3A_493 = vector.multi_reduction <maximumf>, %select_n3A_491, %reduce_max3A_492 [1] : vector<512x512xf32> to vector<512xf32>
    %broadcast_in_dim3A_494 = vector.shape_cast %reduce_max3A_493 : vector<512xf32> to vector<512x1xf32>
    %eq3A_495 = vector.broadcast %broadcast_in_dim3A_494 : vector<512x1xf32> to vector<512x512xf32>
    %eq3A_496 = arith.cmpf oeq, %select_n3A_491, %eq3A_495 : vector<512x512xf32>
    %jit3A_497 = arith.constant -3.000000e+38 : f32
    %broadcast_in_dim3A_498 = vector.broadcast %jit3A_497 : f32 to vector<512x512xf32>
    %select_n3A_499 = arith.select %eq3A_496, %broadcast_in_dim3A_498, %select_n3A_491 : vector<512x512xi1>, vector<512x512xf32>
    %reduce_max3A_500 = arith.constant dense<0xFF800000> : vector<512xf32>
    %reduce_max3A_501 = vector.multi_reduction <maximumf>, %select_n3A_499, %reduce_max3A_500 [1] : vector<512x512xf32> to vector<512xf32>
    %broadcast_in_dim3A_502 = vector.shape_cast %reduce_max3A_501 : vector<512xf32> to vector<512x1xf32>
    %eq3A_503 = vector.broadcast %broadcast_in_dim3A_502 : vector<512x1xf32> to vector<512x512xf32>
    %eq3A_504 = arith.cmpf oeq, %select_n3A_499, %eq3A_503 : vector<512x512xf32>
    %jit3A_505 = arith.constant -3.000000e+38 : f32
    %broadcast_in_dim3A_506 = vector.broadcast %jit3A_505 : f32 to vector<512x512xf32>
    %select_n3A_507 = arith.select %eq3A_504, %broadcast_in_dim3A_506, %select_n3A_499 : vector<512x512xi1>, vector<512x512xf32>
    %reduce_max3A_508 = arith.constant dense<0xFF800000> : vector<512xf32>
    %reduce_max3A_509 = vector.multi_reduction <maximumf>, %select_n3A_507, %reduce_max3A_508 [1] : vector<512x512xf32> to vector<512xf32>
    %broadcast_in_dim3A_510 = vector.shape_cast %reduce_max3A_509 : vector<512xf32> to vector<512x1xf32>
    %eq3A_511 = vector.broadcast %broadcast_in_dim3A_510 : vector<512x1xf32> to vector<512x512xf32>
    %eq3A_512 = arith.cmpf oeq, %select_n3A_507, %eq3A_511 : vector<512x512xf32>
    %jit3A_513 = arith.constant -3.000000e+38 : f32
    %broadcast_in_dim3A_514 = vector.broadcast %jit3A_513 : f32 to vector<512x512xf32>
    %select_n3A_515 = arith.select %eq3A_512, %broadcast_in_dim3A_514, %select_n3A_507 : vector<512x512xi1>, vector<512x512xf32>
    %reduce_max3A_516 = arith.constant dense<0xFF800000> : vector<512xf32>
    %reduce_max3A_517 = vector.multi_reduction <maximumf>, %select_n3A_515, %reduce_max3A_516 [1] : vector<512x512xf32> to vector<512xf32>
    %broadcast_in_dim3A_518 = vector.shape_cast %reduce_max3A_517 : vector<512xf32> to vector<512x1xf32>
    %mul3A_519 = arith.constant 4096 : i32
    %mul3A_520 = arith.muli %arg0, %mul3A_519 : i32
    %concatenate3A = tpu.concatenate %broadcast_in_dim3A_42, %broadcast_in_dim3A_50, %broadcast_in_dim3A_58, %broadcast_in_dim3A_66, %broadcast_in_dim3A_74, %broadcast_in_dim3A_82, %broadcast_in_dim3A_90, %broadcast_in_dim3A_98, %broadcast_in_dim3A_102, %broadcast_in_dim3A_110, %broadcast_in_dim3A_118, %broadcast_in_dim3A_126, %broadcast_in_dim3A_134, %broadcast_in_dim3A_142, %broadcast_in_dim3A_150, %broadcast_in_dim3A_158, %broadcast_in_dim3A_162, %broadcast_in_dim3A_170, %broadcast_in_dim3A_178, %broadcast_in_dim3A_186, %broadcast_in_dim3A_194, %broadcast_in_dim3A_202, %broadcast_in_dim3A_210, %broadcast_in_dim3A_218, %broadcast_in_dim3A_222, %broadcast_in_dim3A_230, %broadcast_in_dim3A_238, %broadcast_in_dim3A_246, %broadcast_in_dim3A_254, %broadcast_in_dim3A_262, %broadcast_in_dim3A_270, %broadcast_in_dim3A_278, %broadcast_in_dim3A_282, %broadcast_in_dim3A_290, %broadcast_in_dim3A_298, %broadcast_in_dim3A_306, %broadcast_in_dim3A_314, %broadcast_in_dim3A_322, %broadcast_in_dim3A_330, %broadcast_in_dim3A_338, %broadcast_in_dim3A_342, %broadcast_in_dim3A_350, %broadcast_in_dim3A_358, %broadcast_in_dim3A_366, %broadcast_in_dim3A_374, %broadcast_in_dim3A_382, %broadcast_in_dim3A_390, %broadcast_in_dim3A_398, %broadcast_in_dim3A_402, %broadcast_in_dim3A_410, %broadcast_in_dim3A_418, %broadcast_in_dim3A_426, %broadcast_in_dim3A_434, %broadcast_in_dim3A_442, %broadcast_in_dim3A_450, %broadcast_in_dim3A_458, %broadcast_in_dim3A_462, %broadcast_in_dim3A_470, %broadcast_in_dim3A_478, %broadcast_in_dim3A_486, %broadcast_in_dim3A_494, %broadcast_in_dim3A_502, %broadcast_in_dim3A_510, %broadcast_in_dim3A_518 in 1 : vector<512x1xf32>, vector<512x1xf32>, vector<512x1xf32>, vector<512x1xf32>, vector<512x1xf32>, vector<512x1xf32>, vector<512x1xf32>, vector<512x1xf32>, vector<512x1xf32>, vector<512x1xf32>, vector<512x1xf32>, vector<512x1xf32>, vector<512x1xf32>, vector<512x1xf32>, vector<512x1xf32>, vector<512x1xf32>, vector<512x1xf32>, vector<512x1xf32>, vector<512x1xf32>, vector<512x1xf32>, vector<512x1xf32>, vector<512x1xf32>, vector<512x1xf32>, vector<512x1xf32>, vector<512x1xf32>, vector<512x1xf32>, vector<512x1xf32>, vector<512x1xf32>, vector<512x1xf32>, vector<512x1xf32>, vector<512x1xf32>, vector<512x1xf32>, vector<512x1xf32>, vector<512x1xf32>, vector<512x1xf32>, vector<512x1xf32>, vector<512x1xf32>, vector<512x1xf32>, vector<512x1xf32>, vector<512x1xf32>, vector<512x1xf32>, vector<512x1xf32>, vector<512x1xf32>, vector<512x1xf32>, vector<512x1xf32>, vector<512x1xf32>, vector<512x1xf32>, vector<512x1xf32>, vector<512x1xf32>, vector<512x1xf32>, vector<512x1xf32>, vector<512x1xf32>, vector<512x1xf32>, vector<512x1xf32>, vector<512x1xf32>, vector<512x1xf32>, vector<512x1xf32>, vector<512x1xf32>, vector<512x1xf32>, vector<512x1xf32>, vector<512x1xf32>, vector<512x1xf32>, vector<512x1xf32>, vector<512x1xf32> -> vector<512x64xf32>
    %iota3A_521 = tpu.iota {dimensions = array<i32: 1>} : vector<512x64xi32>
    %shift_right_arithmetic3A = arith.constant 3 : i32
    %shift_right_arithmetic3A_522 = vector.broadcast %shift_right_arithmetic3A : i32 to vector<512x64xi32>
    %shift_right_arithmetic3A_523 = arith.shrsi %iota3A_521, %shift_right_arithmetic3A_522 : vector<512x64xi32>
    %mul3A_524 = arith.constant 512 : i32
    %mul3A_525 = vector.broadcast %mul3A_524 : i32 to vector<512x64xi32>
    %mul3A_526 = arith.muli %shift_right_arithmetic3A_523, %mul3A_525 : vector<512x64xi32>
    %convert_element_type3A = arith.sitofp %mul3A_526 : vector<512x64xi32> to vector<512x64xf32>
    %add3A_527 = vector.broadcast %mul3A_520 : i32 to vector<512x1xi32>
    %add3A_528 = arith.addi %add3A_24, %add3A_527 : vector<512x1xi32>
    %convert_element_type3A_529 = arith.sitofp %add3A_528 : vector<512x1xi32> to vector<512x1xf32>
    %reduce_max3A_530 = arith.constant dense<0xFF800000> : vector<512xf32>
    %reduce_max3A_531 = vector.multi_reduction <maximumf>, %concatenate3A, %reduce_max3A_530 [1] : vector<512x64xf32> to vector<512xf32>
    %broadcast_in_dim3A_532 = vector.shape_cast %reduce_max3A_531 : vector<512xf32> to vector<512x1xf32>
    %eq3A_533 = vector.broadcast %broadcast_in_dim3A_532 : vector<512x1xf32> to vector<512x64xf32>
    %eq3A_534 = arith.cmpf oeq, %concatenate3A, %eq3A_533 : vector<512x64xf32>
    %jit3A_535 = arith.constant -1.000000e+00 : f32
    %broadcast_in_dim3A_536 = vector.broadcast %jit3A_535 : f32 to vector<512x64xf32>
    %select_n3A_537 = arith.select %eq3A_534, %convert_element_type3A, %broadcast_in_dim3A_536 : vector<512x64xi1>, vector<512x64xf32>
    %reduce_max3A_538 = arith.constant dense<0xFF800000> : vector<512xf32>
    %reduce_max3A_539 = vector.multi_reduction <maximumf>, %select_n3A_537, %reduce_max3A_538 [1] : vector<512x64xf32> to vector<512xf32>
    %broadcast_in_dim3A_540 = vector.shape_cast %reduce_max3A_539 : vector<512xf32> to vector<512x1xf32>
    %bitcast_convert_type3A_541 = tpu.bitcast %broadcast_in_dim3A_532 : vector<512x1xf32> -> vector<512x1xi32>
    %and3A_542 = arith.constant 511 : i32
    %and3A_543 = vector.broadcast %and3A_542 : i32 to vector<512x1xi32>
    %and3A_544 = arith.andi %bitcast_convert_type3A_541, %and3A_543 : vector<512x1xi32>
    %add3A_545 = vector.broadcast %mul3A_520 : i32 to vector<512x1xi32>
    %add3A_546 = arith.addi %and3A_544, %add3A_545 : vector<512x1xi32>
    %convert_element_type3A_547 = arith.sitofp %add3A_546 : vector<512x1xi32> to vector<512x1xf32>
    %add3A_548 = arith.addf %broadcast_in_dim3A_540, %convert_element_type3A_547 : vector<512x1xf32>
    %jit3A_549 = arith.constant -3.000000e+38 : f32
    %broadcast_in_dim3A_550 = vector.broadcast %jit3A_549 : f32 to vector<512x64xf32>
    %select_n3A_551 = arith.select %eq3A_534, %broadcast_in_dim3A_550, %concatenate3A : vector<512x64xi1>, vector<512x64xf32>
    %reduce_max3A_552 = arith.constant dense<0xFF800000> : vector<512xf32>
    %reduce_max3A_553 = vector.multi_reduction <maximumf>, %select_n3A_551, %reduce_max3A_552 [1] : vector<512x64xf32> to vector<512xf32>
    %broadcast_in_dim3A_554 = vector.shape_cast %reduce_max3A_553 : vector<512xf32> to vector<512x1xf32>
    %eq3A_555 = vector.broadcast %broadcast_in_dim3A_554 : vector<512x1xf32> to vector<512x64xf32>
    %eq3A_556 = arith.cmpf oeq, %select_n3A_551, %eq3A_555 : vector<512x64xf32>
    %jit3A_557 = arith.constant -1.000000e+00 : f32
    %broadcast_in_dim3A_558 = vector.broadcast %jit3A_557 : f32 to vector<512x64xf32>
    %select_n3A_559 = arith.select %eq3A_556, %convert_element_type3A, %broadcast_in_dim3A_558 : vector<512x64xi1>, vector<512x64xf32>
    %reduce_max3A_560 = arith.constant dense<0xFF800000> : vector<512xf32>
    %reduce_max3A_561 = vector.multi_reduction <maximumf>, %select_n3A_559, %reduce_max3A_560 [1] : vector<512x64xf32> to vector<512xf32>
    %broadcast_in_dim3A_562 = vector.shape_cast %reduce_max3A_561 : vector<512xf32> to vector<512x1xf32>
    %bitcast_convert_type3A_563 = tpu.bitcast %broadcast_in_dim3A_554 : vector<512x1xf32> -> vector<512x1xi32>
    %and3A_564 = arith.constant 511 : i32
    %and3A_565 = vector.broadcast %and3A_564 : i32 to vector<512x1xi32>
    %and3A_566 = arith.andi %bitcast_convert_type3A_563, %and3A_565 : vector<512x1xi32>
    %add3A_567 = vector.broadcast %mul3A_520 : i32 to vector<512x1xi32>
    %add3A_568 = arith.addi %and3A_566, %add3A_567 : vector<512x1xi32>
    %convert_element_type3A_569 = arith.sitofp %add3A_568 : vector<512x1xi32> to vector<512x1xf32>
    %add3A_570 = arith.addf %broadcast_in_dim3A_562, %convert_element_type3A_569 : vector<512x1xf32>
    %jit3A_571 = arith.constant -3.000000e+38 : f32
    %broadcast_in_dim3A_572 = vector.broadcast %jit3A_571 : f32 to vector<512x64xf32>
    %select_n3A_573 = arith.select %eq3A_556, %broadcast_in_dim3A_572, %select_n3A_551 : vector<512x64xi1>, vector<512x64xf32>
    %reduce_max3A_574 = arith.constant dense<0xFF800000> : vector<512xf32>
    %reduce_max3A_575 = vector.multi_reduction <maximumf>, %select_n3A_573, %reduce_max3A_574 [1] : vector<512x64xf32> to vector<512xf32>
    %broadcast_in_dim3A_576 = vector.shape_cast %reduce_max3A_575 : vector<512xf32> to vector<512x1xf32>
    %eq3A_577 = vector.broadcast %broadcast_in_dim3A_576 : vector<512x1xf32> to vector<512x64xf32>
    %eq3A_578 = arith.cmpf oeq, %select_n3A_573, %eq3A_577 : vector<512x64xf32>
    %jit3A_579 = arith.constant -1.000000e+00 : f32
    %broadcast_in_dim3A_580 = vector.broadcast %jit3A_579 : f32 to vector<512x64xf32>
    %select_n3A_581 = arith.select %eq3A_578, %convert_element_type3A, %broadcast_in_dim3A_580 : vector<512x64xi1>, vector<512x64xf32>
    %reduce_max3A_582 = arith.constant dense<0xFF800000> : vector<512xf32>
    %reduce_max3A_583 = vector.multi_reduction <maximumf>, %select_n3A_581, %reduce_max3A_582 [1] : vector<512x64xf32> to vector<512xf32>
    %broadcast_in_dim3A_584 = vector.shape_cast %reduce_max3A_583 : vector<512xf32> to vector<512x1xf32>
    %bitcast_convert_type3A_585 = tpu.bitcast %broadcast_in_dim3A_576 : vector<512x1xf32> -> vector<512x1xi32>
    %and3A_586 = arith.constant 511 : i32
    %and3A_587 = vector.broadcast %and3A_586 : i32 to vector<512x1xi32>
    %and3A_588 = arith.andi %bitcast_convert_type3A_585, %and3A_587 : vector<512x1xi32>
    %add3A_589 = vector.broadcast %mul3A_520 : i32 to vector<512x1xi32>
    %add3A_590 = arith.addi %and3A_588, %add3A_589 : vector<512x1xi32>
    %convert_element_type3A_591 = arith.sitofp %add3A_590 : vector<512x1xi32> to vector<512x1xf32>
    %add3A_592 = arith.addf %broadcast_in_dim3A_584, %convert_element_type3A_591 : vector<512x1xf32>
    %jit3A_593 = arith.constant -3.000000e+38 : f32
    %broadcast_in_dim3A_594 = vector.broadcast %jit3A_593 : f32 to vector<512x64xf32>
    %select_n3A_595 = arith.select %eq3A_578, %broadcast_in_dim3A_594, %select_n3A_573 : vector<512x64xi1>, vector<512x64xf32>
    %reduce_max3A_596 = arith.constant dense<0xFF800000> : vector<512xf32>
    %reduce_max3A_597 = vector.multi_reduction <maximumf>, %select_n3A_595, %reduce_max3A_596 [1] : vector<512x64xf32> to vector<512xf32>
    %broadcast_in_dim3A_598 = vector.shape_cast %reduce_max3A_597 : vector<512xf32> to vector<512x1xf32>
    %eq3A_599 = vector.broadcast %broadcast_in_dim3A_598 : vector<512x1xf32> to vector<512x64xf32>
    %eq3A_600 = arith.cmpf oeq, %select_n3A_595, %eq3A_599 : vector<512x64xf32>
    %jit3A_601 = arith.constant -1.000000e+00 : f32
    %broadcast_in_dim3A_602 = vector.broadcast %jit3A_601 : f32 to vector<512x64xf32>
    %select_n3A_603 = arith.select %eq3A_600, %convert_element_type3A, %broadcast_in_dim3A_602 : vector<512x64xi1>, vector<512x64xf32>
    %reduce_max3A_604 = arith.constant dense<0xFF800000> : vector<512xf32>
    %reduce_max3A_605 = vector.multi_reduction <maximumf>, %select_n3A_603, %reduce_max3A_604 [1] : vector<512x64xf32> to vector<512xf32>
    %broadcast_in_dim3A_606 = vector.shape_cast %reduce_max3A_605 : vector<512xf32> to vector<512x1xf32>
    %bitcast_convert_type3A_607 = tpu.bitcast %broadcast_in_dim3A_598 : vector<512x1xf32> -> vector<512x1xi32>
    %and3A_608 = arith.constant 511 : i32
    %and3A_609 = vector.broadcast %and3A_608 : i32 to vector<512x1xi32>
    %and3A_610 = arith.andi %bitcast_convert_type3A_607, %and3A_609 : vector<512x1xi32>
    %add3A_611 = vector.broadcast %mul3A_520 : i32 to vector<512x1xi32>
    %add3A_612 = arith.addi %and3A_610, %add3A_611 : vector<512x1xi32>
    %convert_element_type3A_613 = arith.sitofp %add3A_612 : vector<512x1xi32> to vector<512x1xf32>
    %add3A_614 = arith.addf %broadcast_in_dim3A_606, %convert_element_type3A_613 : vector<512x1xf32>
    %jit3A_615 = arith.constant -3.000000e+38 : f32
    %broadcast_in_dim3A_616 = vector.broadcast %jit3A_615 : f32 to vector<512x64xf32>
    %select_n3A_617 = arith.select %eq3A_600, %broadcast_in_dim3A_616, %select_n3A_595 : vector<512x64xi1>, vector<512x64xf32>
    %reduce_max3A_618 = arith.constant dense<0xFF800000> : vector<512xf32>
    %reduce_max3A_619 = vector.multi_reduction <maximumf>, %select_n3A_617, %reduce_max3A_618 [1] : vector<512x64xf32> to vector<512xf32>
    %broadcast_in_dim3A_620 = vector.shape_cast %reduce_max3A_619 : vector<512xf32> to vector<512x1xf32>
    %eq3A_621 = vector.broadcast %broadcast_in_dim3A_620 : vector<512x1xf32> to vector<512x64xf32>
    %eq3A_622 = arith.cmpf oeq, %select_n3A_617, %eq3A_621 : vector<512x64xf32>
    %jit3A_623 = arith.constant -1.000000e+00 : f32
    %broadcast_in_dim3A_624 = vector.broadcast %jit3A_623 : f32 to vector<512x64xf32>
    %select_n3A_625 = arith.select %eq3A_622, %convert_element_type3A, %broadcast_in_dim3A_624 : vector<512x64xi1>, vector<512x64xf32>
    %reduce_max3A_626 = arith.constant dense<0xFF800000> : vector<512xf32>
    %reduce_max3A_627 = vector.multi_reduction <maximumf>, %select_n3A_625, %reduce_max3A_626 [1] : vector<512x64xf32> to vector<512xf32>
    %broadcast_in_dim3A_628 = vector.shape_cast %reduce_max3A_627 : vector<512xf32> to vector<512x1xf32>
    %bitcast_convert_type3A_629 = tpu.bitcast %broadcast_in_dim3A_620 : vector<512x1xf32> -> vector<512x1xi32>
    %and3A_630 = arith.constant 511 : i32
    %and3A_631 = vector.broadcast %and3A_630 : i32 to vector<512x1xi32>
    %and3A_632 = arith.andi %bitcast_convert_type3A_629, %and3A_631 : vector<512x1xi32>
    %add3A_633 = vector.broadcast %mul3A_520 : i32 to vector<512x1xi32>
    %add3A_634 = arith.addi %and3A_632, %add3A_633 : vector<512x1xi32>
    %convert_element_type3A_635 = arith.sitofp %add3A_634 : vector<512x1xi32> to vector<512x1xf32>
    %add3A_636 = arith.addf %broadcast_in_dim3A_628, %convert_element_type3A_635 : vector<512x1xf32>
    %jit3A_637 = arith.constant -3.000000e+38 : f32
    %broadcast_in_dim3A_638 = vector.broadcast %jit3A_637 : f32 to vector<512x64xf32>
    %select_n3A_639 = arith.select %eq3A_622, %broadcast_in_dim3A_638, %select_n3A_617 : vector<512x64xi1>, vector<512x64xf32>
    %reduce_max3A_640 = arith.constant dense<0xFF800000> : vector<512xf32>
    %reduce_max3A_641 = vector.multi_reduction <maximumf>, %select_n3A_639, %reduce_max3A_640 [1] : vector<512x64xf32> to vector<512xf32>
    %broadcast_in_dim3A_642 = vector.shape_cast %reduce_max3A_641 : vector<512xf32> to vector<512x1xf32>
    %eq3A_643 = vector.broadcast %broadcast_in_dim3A_642 : vector<512x1xf32> to vector<512x64xf32>
    %eq3A_644 = arith.cmpf oeq, %select_n3A_639, %eq3A_643 : vector<512x64xf32>
    %jit3A_645 = arith.constant -1.000000e+00 : f32
    %broadcast_in_dim3A_646 = vector.broadcast %jit3A_645 : f32 to vector<512x64xf32>
    %select_n3A_647 = arith.select %eq3A_644, %convert_element_type3A, %broadcast_in_dim3A_646 : vector<512x64xi1>, vector<512x64xf32>
    %reduce_max3A_648 = arith.constant dense<0xFF800000> : vector<512xf32>
    %reduce_max3A_649 = vector.multi_reduction <maximumf>, %select_n3A_647, %reduce_max3A_648 [1] : vector<512x64xf32> to vector<512xf32>
    %broadcast_in_dim3A_650 = vector.shape_cast %reduce_max3A_649 : vector<512xf32> to vector<512x1xf32>
    %bitcast_convert_type3A_651 = tpu.bitcast %broadcast_in_dim3A_642 : vector<512x1xf32> -> vector<512x1xi32>
    %and3A_652 = arith.constant 511 : i32
    %and3A_653 = vector.broadcast %and3A_652 : i32 to vector<512x1xi32>
    %and3A_654 = arith.andi %bitcast_convert_type3A_651, %and3A_653 : vector<512x1xi32>
    %add3A_655 = vector.broadcast %mul3A_520 : i32 to vector<512x1xi32>
    %add3A_656 = arith.addi %and3A_654, %add3A_655 : vector<512x1xi32>
    %convert_element_type3A_657 = arith.sitofp %add3A_656 : vector<512x1xi32> to vector<512x1xf32>
    %add3A_658 = arith.addf %broadcast_in_dim3A_650, %convert_element_type3A_657 : vector<512x1xf32>
    %jit3A_659 = arith.constant -3.000000e+38 : f32
    %broadcast_in_dim3A_660 = vector.broadcast %jit3A_659 : f32 to vector<512x64xf32>
    %select_n3A_661 = arith.select %eq3A_644, %broadcast_in_dim3A_660, %select_n3A_639 : vector<512x64xi1>, vector<512x64xf32>
    %reduce_max3A_662 = arith.constant dense<0xFF800000> : vector<512xf32>
    %reduce_max3A_663 = vector.multi_reduction <maximumf>, %select_n3A_661, %reduce_max3A_662 [1] : vector<512x64xf32> to vector<512xf32>
    %broadcast_in_dim3A_664 = vector.shape_cast %reduce_max3A_663 : vector<512xf32> to vector<512x1xf32>
    %eq3A_665 = vector.broadcast %broadcast_in_dim3A_664 : vector<512x1xf32> to vector<512x64xf32>
    %eq3A_666 = arith.cmpf oeq, %select_n3A_661, %eq3A_665 : vector<512x64xf32>
    %jit3A_667 = arith.constant -1.000000e+00 : f32
    %broadcast_in_dim3A_668 = vector.broadcast %jit3A_667 : f32 to vector<512x64xf32>
    %select_n3A_669 = arith.select %eq3A_666, %convert_element_type3A, %broadcast_in_dim3A_668 : vector<512x64xi1>, vector<512x64xf32>
    %reduce_max3A_670 = arith.constant dense<0xFF800000> : vector<512xf32>
    %reduce_max3A_671 = vector.multi_reduction <maximumf>, %select_n3A_669, %reduce_max3A_670 [1] : vector<512x64xf32> to vector<512xf32>
    %broadcast_in_dim3A_672 = vector.shape_cast %reduce_max3A_671 : vector<512xf32> to vector<512x1xf32>
    %bitcast_convert_type3A_673 = tpu.bitcast %broadcast_in_dim3A_664 : vector<512x1xf32> -> vector<512x1xi32>
    %and3A_674 = arith.constant 511 : i32
    %and3A_675 = vector.broadcast %and3A_674 : i32 to vector<512x1xi32>
    %and3A_676 = arith.andi %bitcast_convert_type3A_673, %and3A_675 : vector<512x1xi32>
    %add3A_677 = vector.broadcast %mul3A_520 : i32 to vector<512x1xi32>
    %add3A_678 = arith.addi %and3A_676, %add3A_677 : vector<512x1xi32>
    %convert_element_type3A_679 = arith.sitofp %add3A_678 : vector<512x1xi32> to vector<512x1xf32>
    %add3A_680 = arith.addf %broadcast_in_dim3A_672, %convert_element_type3A_679 : vector<512x1xf32>
    %jit3A_681 = arith.constant -3.000000e+38 : f32
    %broadcast_in_dim3A_682 = vector.broadcast %jit3A_681 : f32 to vector<512x64xf32>
    %select_n3A_683 = arith.select %eq3A_666, %broadcast_in_dim3A_682, %select_n3A_661 : vector<512x64xi1>, vector<512x64xf32>
    %reduce_max3A_684 = arith.constant dense<0xFF800000> : vector<512xf32>
    %reduce_max3A_685 = vector.multi_reduction <maximumf>, %select_n3A_683, %reduce_max3A_684 [1] : vector<512x64xf32> to vector<512xf32>
    %broadcast_in_dim3A_686 = vector.shape_cast %reduce_max3A_685 : vector<512xf32> to vector<512x1xf32>
    %eq3A_687 = vector.broadcast %broadcast_in_dim3A_686 : vector<512x1xf32> to vector<512x64xf32>
    %eq3A_688 = arith.cmpf oeq, %select_n3A_683, %eq3A_687 : vector<512x64xf32>
    %jit3A_689 = arith.constant -1.000000e+00 : f32
    %broadcast_in_dim3A_690 = vector.broadcast %jit3A_689 : f32 to vector<512x64xf32>
    %select_n3A_691 = arith.select %eq3A_688, %convert_element_type3A, %broadcast_in_dim3A_690 : vector<512x64xi1>, vector<512x64xf32>
    %reduce_max3A_692 = arith.constant dense<0xFF800000> : vector<512xf32>
    %reduce_max3A_693 = vector.multi_reduction <maximumf>, %select_n3A_691, %reduce_max3A_692 [1] : vector<512x64xf32> to vector<512xf32>
    %broadcast_in_dim3A_694 = vector.shape_cast %reduce_max3A_693 : vector<512xf32> to vector<512x1xf32>
    %bitcast_convert_type3A_695 = tpu.bitcast %broadcast_in_dim3A_686 : vector<512x1xf32> -> vector<512x1xi32>
    %and3A_696 = arith.constant 511 : i32
    %and3A_697 = vector.broadcast %and3A_696 : i32 to vector<512x1xi32>
    %and3A_698 = arith.andi %bitcast_convert_type3A_695, %and3A_697 : vector<512x1xi32>
    %add3A_699 = vector.broadcast %mul3A_520 : i32 to vector<512x1xi32>
    %add3A_700 = arith.addi %and3A_698, %add3A_699 : vector<512x1xi32>
    %convert_element_type3A_701 = arith.sitofp %add3A_700 : vector<512x1xi32> to vector<512x1xf32>
    %add3A_702 = arith.addf %broadcast_in_dim3A_694, %convert_element_type3A_701 : vector<512x1xf32>
    %jit3A_703 = arith.constant -3.000000e+38 : f32
    %broadcast_in_dim3A_704 = vector.broadcast %jit3A_703 : f32 to vector<512x64xf32>
    %select_n3A_705 = arith.select %eq3A_688, %broadcast_in_dim3A_704, %select_n3A_683 : vector<512x64xi1>, vector<512x64xf32>
    %reduce_max3A_706 = arith.constant dense<0xFF800000> : vector<512xf32>
    %reduce_max3A_707 = vector.multi_reduction <maximumf>, %select_n3A_705, %reduce_max3A_706 [1] : vector<512x64xf32> to vector<512xf32>
    %broadcast_in_dim3A_708 = vector.shape_cast %reduce_max3A_707 : vector<512xf32> to vector<512x1xf32>
    %eq3A_709 = vector.broadcast %broadcast_in_dim3A_708 : vector<512x1xf32> to vector<512x64xf32>
    %eq3A_710 = arith.cmpf oeq, %select_n3A_705, %eq3A_709 : vector<512x64xf32>
    %jit3A_711 = arith.constant -1.000000e+00 : f32
    %broadcast_in_dim3A_712 = vector.broadcast %jit3A_711 : f32 to vector<512x64xf32>
    %select_n3A_713 = arith.select %eq3A_710, %convert_element_type3A, %broadcast_in_dim3A_712 : vector<512x64xi1>, vector<512x64xf32>
    %reduce_max3A_714 = arith.constant dense<0xFF800000> : vector<512xf32>
    %reduce_max3A_715 = vector.multi_reduction <maximumf>, %select_n3A_713, %reduce_max3A_714 [1] : vector<512x64xf32> to vector<512xf32>
    %broadcast_in_dim3A_716 = vector.shape_cast %reduce_max3A_715 : vector<512xf32> to vector<512x1xf32>
    %bitcast_convert_type3A_717 = tpu.bitcast %broadcast_in_dim3A_708 : vector<512x1xf32> -> vector<512x1xi32>
    %and3A_718 = arith.constant 511 : i32
    %and3A_719 = vector.broadcast %and3A_718 : i32 to vector<512x1xi32>
    %and3A_720 = arith.andi %bitcast_convert_type3A_717, %and3A_719 : vector<512x1xi32>
    %add3A_721 = vector.broadcast %mul3A_520 : i32 to vector<512x1xi32>
    %add3A_722 = arith.addi %and3A_720, %add3A_721 : vector<512x1xi32>
    %convert_element_type3A_723 = arith.sitofp %add3A_722 : vector<512x1xi32> to vector<512x1xf32>
    %add3A_724 = arith.addf %broadcast_in_dim3A_716, %convert_element_type3A_723 : vector<512x1xf32>
    %jit3A_725 = arith.constant -3.000000e+38 : f32
    %broadcast_in_dim3A_726 = vector.broadcast %jit3A_725 : f32 to vector<512x64xf32>
    %select_n3A_727 = arith.select %eq3A_710, %broadcast_in_dim3A_726, %select_n3A_705 : vector<512x64xi1>, vector<512x64xf32>
    %reduce_max3A_728 = arith.constant dense<0xFF800000> : vector<512xf32>
    %reduce_max3A_729 = vector.multi_reduction <maximumf>, %select_n3A_727, %reduce_max3A_728 [1] : vector<512x64xf32> to vector<512xf32>
    %broadcast_in_dim3A_730 = vector.shape_cast %reduce_max3A_729 : vector<512xf32> to vector<512x1xf32>
    %eq3A_731 = vector.broadcast %broadcast_in_dim3A_730 : vector<512x1xf32> to vector<512x64xf32>
    %eq3A_732 = arith.cmpf oeq, %select_n3A_727, %eq3A_731 : vector<512x64xf32>
    %jit3A_733 = arith.constant -1.000000e+00 : f32
    %broadcast_in_dim3A_734 = vector.broadcast %jit3A_733 : f32 to vector<512x64xf32>
    %select_n3A_735 = arith.select %eq3A_732, %convert_element_type3A, %broadcast_in_dim3A_734 : vector<512x64xi1>, vector<512x64xf32>
    %reduce_max3A_736 = arith.constant dense<0xFF800000> : vector<512xf32>
    %reduce_max3A_737 = vector.multi_reduction <maximumf>, %select_n3A_735, %reduce_max3A_736 [1] : vector<512x64xf32> to vector<512xf32>
    %broadcast_in_dim3A_738 = vector.shape_cast %reduce_max3A_737 : vector<512xf32> to vector<512x1xf32>
    %bitcast_convert_type3A_739 = tpu.bitcast %broadcast_in_dim3A_730 : vector<512x1xf32> -> vector<512x1xi32>
    %and3A_740 = arith.constant 511 : i32
    %and3A_741 = vector.broadcast %and3A_740 : i32 to vector<512x1xi32>
    %and3A_742 = arith.andi %bitcast_convert_type3A_739, %and3A_741 : vector<512x1xi32>
    %add3A_743 = vector.broadcast %mul3A_520 : i32 to vector<512x1xi32>
    %add3A_744 = arith.addi %and3A_742, %add3A_743 : vector<512x1xi32>
    %convert_element_type3A_745 = arith.sitofp %add3A_744 : vector<512x1xi32> to vector<512x1xf32>
    %add3A_746 = arith.addf %broadcast_in_dim3A_738, %convert_element_type3A_745 : vector<512x1xf32>
    %jit3A_747 = arith.constant -3.000000e+38 : f32
    %broadcast_in_dim3A_748 = vector.broadcast %jit3A_747 : f32 to vector<512x64xf32>
    %select_n3A_749 = arith.select %eq3A_732, %broadcast_in_dim3A_748, %select_n3A_727 : vector<512x64xi1>, vector<512x64xf32>
    %reduce_max3A_750 = arith.constant dense<0xFF800000> : vector<512xf32>
    %reduce_max3A_751 = vector.multi_reduction <maximumf>, %select_n3A_749, %reduce_max3A_750 [1] : vector<512x64xf32> to vector<512xf32>
    %broadcast_in_dim3A_752 = vector.shape_cast %reduce_max3A_751 : vector<512xf32> to vector<512x1xf32>
    %eq3A_753 = vector.broadcast %broadcast_in_dim3A_752 : vector<512x1xf32> to vector<512x64xf32>
    %eq3A_754 = arith.cmpf oeq, %select_n3A_749, %eq3A_753 : vector<512x64xf32>
    %jit3A_755 = arith.constant -1.000000e+00 : f32
    %broadcast_in_dim3A_756 = vector.broadcast %jit3A_755 : f32 to vector<512x64xf32>
    %select_n3A_757 = arith.select %eq3A_754, %convert_element_type3A, %broadcast_in_dim3A_756 : vector<512x64xi1>, vector<512x64xf32>
    %reduce_max3A_758 = arith.constant dense<0xFF800000> : vector<512xf32>
    %reduce_max3A_759 = vector.multi_reduction <maximumf>, %select_n3A_757, %reduce_max3A_758 [1] : vector<512x64xf32> to vector<512xf32>
    %broadcast_in_dim3A_760 = vector.shape_cast %reduce_max3A_759 : vector<512xf32> to vector<512x1xf32>
    %bitcast_convert_type3A_761 = tpu.bitcast %broadcast_in_dim3A_752 : vector<512x1xf32> -> vector<512x1xi32>
    %and3A_762 = arith.constant 511 : i32
    %and3A_763 = vector.broadcast %and3A_762 : i32 to vector<512x1xi32>
    %and3A_764 = arith.andi %bitcast_convert_type3A_761, %and3A_763 : vector<512x1xi32>
    %add3A_765 = vector.broadcast %mul3A_520 : i32 to vector<512x1xi32>
    %add3A_766 = arith.addi %and3A_764, %add3A_765 : vector<512x1xi32>
    %convert_element_type3A_767 = arith.sitofp %add3A_766 : vector<512x1xi32> to vector<512x1xf32>
    %add3A_768 = arith.addf %broadcast_in_dim3A_760, %convert_element_type3A_767 : vector<512x1xf32>
    %jit3A_769 = arith.constant -3.000000e+38 : f32
    %broadcast_in_dim3A_770 = vector.broadcast %jit3A_769 : f32 to vector<512x64xf32>
    %select_n3A_771 = arith.select %eq3A_754, %broadcast_in_dim3A_770, %select_n3A_749 : vector<512x64xi1>, vector<512x64xf32>
    %reduce_max3A_772 = arith.constant dense<0xFF800000> : vector<512xf32>
    %reduce_max3A_773 = vector.multi_reduction <maximumf>, %select_n3A_771, %reduce_max3A_772 [1] : vector<512x64xf32> to vector<512xf32>
    %broadcast_in_dim3A_774 = vector.shape_cast %reduce_max3A_773 : vector<512xf32> to vector<512x1xf32>
    %eq3A_775 = vector.broadcast %broadcast_in_dim3A_774 : vector<512x1xf32> to vector<512x64xf32>
    %eq3A_776 = arith.cmpf oeq, %select_n3A_771, %eq3A_775 : vector<512x64xf32>
    %jit3A_777 = arith.constant -1.000000e+00 : f32
    %broadcast_in_dim3A_778 = vector.broadcast %jit3A_777 : f32 to vector<512x64xf32>
    %select_n3A_779 = arith.select %eq3A_776, %convert_element_type3A, %broadcast_in_dim3A_778 : vector<512x64xi1>, vector<512x64xf32>
    %reduce_max3A_780 = arith.constant dense<0xFF800000> : vector<512xf32>
    %reduce_max3A_781 = vector.multi_reduction <maximumf>, %select_n3A_779, %reduce_max3A_780 [1] : vector<512x64xf32> to vector<512xf32>
    %broadcast_in_dim3A_782 = vector.shape_cast %reduce_max3A_781 : vector<512xf32> to vector<512x1xf32>
    %bitcast_convert_type3A_783 = tpu.bitcast %broadcast_in_dim3A_774 : vector<512x1xf32> -> vector<512x1xi32>
    %and3A_784 = arith.constant 511 : i32
    %and3A_785 = vector.broadcast %and3A_784 : i32 to vector<512x1xi32>
    %and3A_786 = arith.andi %bitcast_convert_type3A_783, %and3A_785 : vector<512x1xi32>
    %add3A_787 = vector.broadcast %mul3A_520 : i32 to vector<512x1xi32>
    %add3A_788 = arith.addi %and3A_786, %add3A_787 : vector<512x1xi32>
    %convert_element_type3A_789 = arith.sitofp %add3A_788 : vector<512x1xi32> to vector<512x1xf32>
    %add3A_790 = arith.addf %broadcast_in_dim3A_782, %convert_element_type3A_789 : vector<512x1xf32>
    %jit3A_791 = arith.constant -3.000000e+38 : f32
    %broadcast_in_dim3A_792 = vector.broadcast %jit3A_791 : f32 to vector<512x64xf32>
    %select_n3A_793 = arith.select %eq3A_776, %broadcast_in_dim3A_792, %select_n3A_771 : vector<512x64xi1>, vector<512x64xf32>
    %reduce_max3A_794 = arith.constant dense<0xFF800000> : vector<512xf32>
    %reduce_max3A_795 = vector.multi_reduction <maximumf>, %select_n3A_793, %reduce_max3A_794 [1] : vector<512x64xf32> to vector<512xf32>
    %broadcast_in_dim3A_796 = vector.shape_cast %reduce_max3A_795 : vector<512xf32> to vector<512x1xf32>
    %eq3A_797 = vector.broadcast %broadcast_in_dim3A_796 : vector<512x1xf32> to vector<512x64xf32>
    %eq3A_798 = arith.cmpf oeq, %select_n3A_793, %eq3A_797 : vector<512x64xf32>
    %jit3A_799 = arith.constant -1.000000e+00 : f32
    %broadcast_in_dim3A_800 = vector.broadcast %jit3A_799 : f32 to vector<512x64xf32>
    %select_n3A_801 = arith.select %eq3A_798, %convert_element_type3A, %broadcast_in_dim3A_800 : vector<512x64xi1>, vector<512x64xf32>
    %reduce_max3A_802 = arith.constant dense<0xFF800000> : vector<512xf32>
    %reduce_max3A_803 = vector.multi_reduction <maximumf>, %select_n3A_801, %reduce_max3A_802 [1] : vector<512x64xf32> to vector<512xf32>
    %broadcast_in_dim3A_804 = vector.shape_cast %reduce_max3A_803 : vector<512xf32> to vector<512x1xf32>
    %bitcast_convert_type3A_805 = tpu.bitcast %broadcast_in_dim3A_796 : vector<512x1xf32> -> vector<512x1xi32>
    %and3A_806 = arith.constant 511 : i32
    %and3A_807 = vector.broadcast %and3A_806 : i32 to vector<512x1xi32>
    %and3A_808 = arith.andi %bitcast_convert_type3A_805, %and3A_807 : vector<512x1xi32>
    %add3A_809 = vector.broadcast %mul3A_520 : i32 to vector<512x1xi32>
    %add3A_810 = arith.addi %and3A_808, %add3A_809 : vector<512x1xi32>
    %convert_element_type3A_811 = arith.sitofp %add3A_810 : vector<512x1xi32> to vector<512x1xf32>
    %add3A_812 = arith.addf %broadcast_in_dim3A_804, %convert_element_type3A_811 : vector<512x1xf32>
    %jit3A_813 = arith.constant -3.000000e+38 : f32
    %broadcast_in_dim3A_814 = vector.broadcast %jit3A_813 : f32 to vector<512x64xf32>
    %select_n3A_815 = arith.select %eq3A_798, %broadcast_in_dim3A_814, %select_n3A_793 : vector<512x64xi1>, vector<512x64xf32>
    %reduce_max3A_816 = arith.constant dense<0xFF800000> : vector<512xf32>
    %reduce_max3A_817 = vector.multi_reduction <maximumf>, %select_n3A_815, %reduce_max3A_816 [1] : vector<512x64xf32> to vector<512xf32>
    %broadcast_in_dim3A_818 = vector.shape_cast %reduce_max3A_817 : vector<512xf32> to vector<512x1xf32>
    %eq3A_819 = vector.broadcast %broadcast_in_dim3A_818 : vector<512x1xf32> to vector<512x64xf32>
    %eq3A_820 = arith.cmpf oeq, %select_n3A_815, %eq3A_819 : vector<512x64xf32>
    %jit3A_821 = arith.constant -1.000000e+00 : f32
    %broadcast_in_dim3A_822 = vector.broadcast %jit3A_821 : f32 to vector<512x64xf32>
    %select_n3A_823 = arith.select %eq3A_820, %convert_element_type3A, %broadcast_in_dim3A_822 : vector<512x64xi1>, vector<512x64xf32>
    %reduce_max3A_824 = arith.constant dense<0xFF800000> : vector<512xf32>
    %reduce_max3A_825 = vector.multi_reduction <maximumf>, %select_n3A_823, %reduce_max3A_824 [1] : vector<512x64xf32> to vector<512xf32>
    %broadcast_in_dim3A_826 = vector.shape_cast %reduce_max3A_825 : vector<512xf32> to vector<512x1xf32>
    %bitcast_convert_type3A_827 = tpu.bitcast %broadcast_in_dim3A_818 : vector<512x1xf32> -> vector<512x1xi32>
    %and3A_828 = arith.constant 511 : i32
    %and3A_829 = vector.broadcast %and3A_828 : i32 to vector<512x1xi32>
    %and3A_830 = arith.andi %bitcast_convert_type3A_827, %and3A_829 : vector<512x1xi32>
    %add3A_831 = vector.broadcast %mul3A_520 : i32 to vector<512x1xi32>
    %add3A_832 = arith.addi %and3A_830, %add3A_831 : vector<512x1xi32>
    %convert_element_type3A_833 = arith.sitofp %add3A_832 : vector<512x1xi32> to vector<512x1xf32>
    %add3A_834 = arith.addf %broadcast_in_dim3A_826, %convert_element_type3A_833 : vector<512x1xf32>
    %jit3A_835 = arith.constant -3.000000e+38 : f32
    %broadcast_in_dim3A_836 = vector.broadcast %jit3A_835 : f32 to vector<512x64xf32>
    %select_n3A_837 = arith.select %eq3A_820, %broadcast_in_dim3A_836, %select_n3A_815 : vector<512x64xi1>, vector<512x64xf32>
    %reduce_max3A_838 = arith.constant dense<0xFF800000> : vector<512xf32>
    %reduce_max3A_839 = vector.multi_reduction <maximumf>, %select_n3A_837, %reduce_max3A_838 [1] : vector<512x64xf32> to vector<512xf32>
    %broadcast_in_dim3A_840 = vector.shape_cast %reduce_max3A_839 : vector<512xf32> to vector<512x1xf32>
    %eq3A_841 = vector.broadcast %broadcast_in_dim3A_840 : vector<512x1xf32> to vector<512x64xf32>
    %eq3A_842 = arith.cmpf oeq, %select_n3A_837, %eq3A_841 : vector<512x64xf32>
    %jit3A_843 = arith.constant -1.000000e+00 : f32
    %broadcast_in_dim3A_844 = vector.broadcast %jit3A_843 : f32 to vector<512x64xf32>
    %select_n3A_845 = arith.select %eq3A_842, %convert_element_type3A, %broadcast_in_dim3A_844 : vector<512x64xi1>, vector<512x64xf32>
    %reduce_max3A_846 = arith.constant dense<0xFF800000> : vector<512xf32>
    %reduce_max3A_847 = vector.multi_reduction <maximumf>, %select_n3A_845, %reduce_max3A_846 [1] : vector<512x64xf32> to vector<512xf32>
    %broadcast_in_dim3A_848 = vector.shape_cast %reduce_max3A_847 : vector<512xf32> to vector<512x1xf32>
    %bitcast_convert_type3A_849 = tpu.bitcast %broadcast_in_dim3A_840 : vector<512x1xf32> -> vector<512x1xi32>
    %and3A_850 = arith.constant 511 : i32
    %and3A_851 = vector.broadcast %and3A_850 : i32 to vector<512x1xi32>
    %and3A_852 = arith.andi %bitcast_convert_type3A_849, %and3A_851 : vector<512x1xi32>
    %add3A_853 = vector.broadcast %mul3A_520 : i32 to vector<512x1xi32>
    %add3A_854 = arith.addi %and3A_852, %add3A_853 : vector<512x1xi32>
    %convert_element_type3A_855 = arith.sitofp %add3A_854 : vector<512x1xi32> to vector<512x1xf32>
    %add3A_856 = arith.addf %broadcast_in_dim3A_848, %convert_element_type3A_855 : vector<512x1xf32>
    %concatenate3A_857 = tpu.concatenate %convert_element_type3A_529, %add3A_548, %add3A_570, %add3A_592, %add3A_614, %add3A_636, %add3A_658, %add3A_680, %add3A_702, %add3A_724, %add3A_746, %add3A_768, %add3A_790, %add3A_812, %add3A_834, %add3A_856 in 1 : vector<512x1xf32>, vector<512x1xf32>, vector<512x1xf32>, vector<512x1xf32>, vector<512x1xf32>, vector<512x1xf32>, vector<512x1xf32>, vector<512x1xf32>, vector<512x1xf32>, vector<512x1xf32>, vector<512x1xf32>, vector<512x1xf32>, vector<512x1xf32>, vector<512x1xf32>, vector<512x1xf32>, vector<512x1xf32> -> vector<512x16xf32>
    %convert_element_type3A_858 = arith.fptosi %concatenate3A_857 : vector<512x16xf32> to vector<512x16xi32>
    %swap3A = arith.constant 0 : index
    %swap3A_859 = arith.constant 0 : index
    %swap3A_860 = vector.load %arg6[%swap3A, %swap3A_859] : memref<512x16xi32, #tpu.memory_space<vmem>>, vector<512x16xi32>
    tpu.vector_store %arg6[%swap3A, %swap3A_859], %convert_element_type3A_858 {strides = array<i32>} : memref<512x16xi32, #tpu.memory_space<vmem>>, vector<512x16xi32>,
    %get3A_861 = arith.constant 0 : index
    %get3A_862 = arith.constant 0 : index
    %get3A_863 = vector.load %arg4[%get3A_861, %get3A_862] : memref<128x64xf32, #tpu.memory_space<vmem>>, vector<128x64xf32>
    %slice3A_864 = vector.extract_strided_slice %get3A_863 {offsets = [0, 0], sizes = [64, 64], strides = [1, 1]} : vector<128x64xf32> to vector<64x64xf32>
    %slice3A_865 = vector.extract_strided_slice %get3A_863 {offsets = [64, 0], sizes = [64, 64], strides = [1, 1]} : vector<128x64xf32> to vector<64x64xf32>
    %dot_general3A_866 = arith.constant dense<0.000000e+00> : vector<512x64xf32>
    %dot_general3A_867 = tpu.matmul %get3A_8, %slice3A_864, %dot_general3A_866 {dimension_numbers = #tpu.dot_dimension_numbers<[0], [0], [1], [1], [0, 1, 1, 1], [], []>, transpose_lhs_hint = false} : vector<64x512xf32>, vector<64x64xf32>, vector<512x64xf32> -> vector<512x64xf32>
    %swap3A_868 = arith.constant 0 : index
    %swap3A_869 = arith.constant 0 : index
    %swap3A_870 = vector.load %arg7[%swap3A_868, %swap3A_869] : memref<512x64xf32, #tpu.memory_space<vmem>>, vector<512x64xf32>
    tpu.vector_store %arg7[%swap3A_868, %swap3A_869], %dot_general3A_867 {strides = array<i32>} : memref<512x64xf32, #tpu.memory_space<vmem>>, vector<512x64xf32>,
    %sub3A_871 = arith.subf %slice3A_865, %slice3A_864 : vector<64x64xf32>
    %dot_general3A_872 = arith.constant dense<0.000000e+00> : vector<512x64xf32>
    %dot_general3A_873 = tpu.matmul %get3A_8, %sub3A_871, %dot_general3A_872 {dimension_numbers = #tpu.dot_dimension_numbers<[0], [0], [1], [1], [0, 1, 1, 1], [], []>, transpose_lhs_hint = false} : vector<64x512xf32>, vector<64x64xf32>, vector<512x64xf32> -> vector<512x64xf32>
    %get3A_874 = arith.constant 0 : index
    %get3A_875 = arith.constant 0 : index
    %get3A_876 = vector.load %arg5[%get3A_874, %get3A_875] : memref<1x64xf32, #tpu.memory_space<vmem>>, vector<1x64xf32>
    %add3A_877 = vector.broadcast %get3A_876 : vector<1x64xf32> to vector<512x64xf32>
    %add3A_878 = arith.addf %dot_general3A_873, %add3A_877 : vector<512x64xf32>
    %swap3A_879 = arith.constant 0 : index
    %swap3A_880 = arith.constant 0 : index
    %swap3A_881 = vector.load %arg8[%swap3A_879, %swap3A_880] : memref<512x64xf32, #tpu.memory_space<vmem>>, vector<512x64xf32>
    tpu.vector_store %arg8[%swap3A_879, %swap3A_880], %add3A_878 {strides = array<i32>} : memref<512x64xf32, #tpu.memory_space<vmem>>, vector<512x64xf32>,
    return
  }
  func.func @transform_0(%arg0: i32, %arg1: i32) -> (i32, i32, i32) {
    %c0_i32 = arith.constant 0 : i32
    %c0_i32_0 = arith.constant 0 : i32
    %c0_i32_1 = arith.constant 0 : i32
    return %arg0, %c0_i32, %c0_i32_0 : i32, i32, i32
  }
  func.func @transform_1(%arg0: i32, %arg1: i32) -> (i32, i32, i32) {
    %c0_i32 = arith.constant 0 : i32
    %c0_i32_0 = arith.constant 0 : i32
    return %arg0, %c0_i32, %arg1 : i32, i32, i32
  }
  func.func @transform_2(%arg0: i32, %arg1: i32) -> (i32, i32) {
    %c0_i32 = arith.constant 0 : i32
    %c0_i32_0 = arith.constant 0 : i32
    %c0_i32_1 = arith.constant 0 : i32
    return %c0_i32, %c0_i32_0 : i32, i32
  }
  func.func @transform_3(%arg0: i32, %arg1: i32) -> (i32, i32) {
    %c0_i32 = arith.constant 0 : i32
    %c0_i32_0 = arith.constant 0 : i32
    %c0_i32_1 = arith.constant 0 : i32
    return %c0_i32, %c0_i32_0 : i32, i32
  }
  func.func @transform_4(%arg0: i32, %arg1: i32) -> (i32, i32) {
    %mul3A = arith.constant 8 : i32
    %mul3A_0 = arith.muli %arg0, %mul3A : i32
    %add3A = arith.addi %mul3A_0, %arg1 : i32
    %c0_i32 = arith.constant 0 : i32
    %c0_i32_1 = arith.constant 0 : i32
    return %add3A, %c0_i32 : i32, i32
  }
  func.func @transform_5(%arg0: i32, %arg1: i32) -> (i32, i32) {
    %mul3A = arith.constant 8 : i32
    %mul3A_0 = arith.muli %arg0, %mul3A : i32
    %add3A = arith.addi %mul3A_0, %arg1 : i32
    %c0_i32 = arith.constant 0 : i32
    %c0_i32_1 = arith.constant 0 : i32
    return %add3A, %c0_i32 : i32, i32
  }
  func.func @transform_6(%arg0: i32, %arg1: i32) -> (i32, i32) {
    %mul3A = arith.constant 8 : i32
    %mul3A_0 = arith.muli %arg0, %mul3A : i32
    %add3A = arith.addi %mul3A_0, %arg1 : i32
    %c0_i32 = arith.constant 0 : i32
    %c0_i32_1 = arith.constant 0 : i32
    return %add3A, %c0_i32 : i32, i32
  }
}

module attributes {stable_mosaic.version = 14 : i64} {
  func.func @_conv_body(%arg0: i32, %arg1: i32, %arg2: memref<4096x128xf32, #tpu.memory_space<vmem>>, %arg3: memref<512x64xf32, #tpu.memory_space<vmem>>, %arg4: memref<64x128xf32, #tpu.memory_space<vmem>>, %arg5: memref<128x1xf32, #tpu.memory_space<vmem>>, %arg6: memref<1x128x512xf32, #tpu.memory_space<vmem>>) attributes {dimension_semantics = [#tpu.dimension_semantics<arbitrary>, #tpu.dimension_semantics<arbitrary>], iteration_bounds = array<i64: 4, 8>, scalar_prefetch = 0 : i64, scratch_operands = 0 : i64, tpu.core_type = #tpu.core_type<tc>, window_params = [{transform_indices = @transform_0, window_bounds = array<i64: 4096, 128>}, {transform_indices = @transform_1, window_bounds = array<i64: 512, 64>}, {pipeline_mode = #tpu.pipeline_mode<synchronous>, transform_indices = @transform_2, window_bounds = array<i64: 64, 128>}, {pipeline_mode = #tpu.pipeline_mode<synchronous>, transform_indices = @transform_3, window_bounds = array<i64: 128, 1>}, {transform_indices = @transform_4, window_bounds = array<i64: 1, 128, 512>}]} {
    %get3A = arith.constant 0 : index
    %get3A_0 = arith.constant 0 : index
    %get3A_1 = vector.load %arg2[%get3A, %get3A_0] : memref<4096x128xf32, #tpu.memory_space<vmem>>, vector<4096x128xf32>
    %get3A_2 = arith.constant 0 : index
    %get3A_3 = arith.constant 0 : index
    %get3A_4 = vector.load %arg3[%get3A_2, %get3A_3] : memref<512x64xf32, #tpu.memory_space<vmem>>, vector<512x64xf32>
    %broadcast_in_dim3A = vector.shape_cast %get3A_4 : vector<512x64xf32> to vector<512x1x64xf32>
    %broadcast_in_dim3A_5 = vector.shape_cast %broadcast_in_dim3A : vector<512x1x64xf32> to vector<512x1x64xf32>
    %broadcast_in_dim3A_6 = vector.broadcast %broadcast_in_dim3A_5 : vector<512x1x64xf32> to vector<512x8x64xf32>
    %reshape3A = vector.shape_cast %broadcast_in_dim3A_6 : vector<512x8x64xf32> to vector<4096x64xf32>
    %slice3A = vector.extract_strided_slice %get3A_1 {offsets = [0, 0], sizes = [4096, 64], strides = [1, 1]} : vector<4096x128xf32> to vector<4096x64xf32>
    %add3A = arith.addf %slice3A, %reshape3A : vector<4096x64xf32>
    %max3A = arith.constant 0.000000e+00 : f32
    %max3A_7 = vector.broadcast %max3A : f32 to vector<4096x64xf32>
    %max3A_8 = arith.maximumf %add3A, %max3A_7 : vector<4096x64xf32>
    %get3A_9 = arith.constant 0 : index
    %get3A_10 = arith.constant 0 : index
    %get3A_11 = vector.load %arg4[%get3A_9, %get3A_10] : memref<64x128xf32, #tpu.memory_space<vmem>>, vector<64x128xf32>
    %dot_general3A = arith.constant dense<0.000000e+00> : vector<4096x128xf32>
    %dot_general3A_12 = tpu.matmul %max3A_8, %get3A_11, %dot_general3A {dimension_numbers = #tpu.dot_dimension_numbers<[1], [0], [0], [1], [0, 0, 1, 1], [], []>, transpose_lhs_hint = false} : vector<4096x64xf32>, vector<64x128xf32>, vector<4096x128xf32> -> vector<4096x128xf32>
    %reshape3A_13 = vector.shape_cast %dot_general3A_12 : vector<4096x128xf32> to vector<512x8x128xf32>
    %reduce_max3A = arith.constant dense<0xFF800000> : vector<512x128xf32>
    %reduce_max3A_14 = vector.multi_reduction <maximumf>, %reshape3A_13, %reduce_max3A [1] : vector<512x8x128xf32> to vector<512x128xf32>
    %slice3A_15 = vector.extract_strided_slice %get3A_1 {offsets = [0, 64], sizes = [4096, 64], strides = [1, 1]} : vector<4096x128xf32> to vector<4096x64xf32>
    %add3A_16 = arith.addf %slice3A_15, %reshape3A : vector<4096x64xf32>
    %max3A_17 = arith.constant 0.000000e+00 : f32
    %max3A_18 = vector.broadcast %max3A_17 : f32 to vector<4096x64xf32>
    %max3A_19 = arith.maximumf %add3A_16, %max3A_18 : vector<4096x64xf32>
    %get3A_20 = arith.constant 0 : index
    %get3A_21 = arith.constant 0 : index
    %get3A_22 = vector.load %arg4[%get3A_20, %get3A_21] : memref<64x128xf32, #tpu.memory_space<vmem>>, vector<64x128xf32>
    %dot_general3A_23 = arith.constant dense<0.000000e+00> : vector<4096x128xf32>
    %dot_general3A_24 = tpu.matmul %max3A_19, %get3A_22, %dot_general3A_23 {dimension_numbers = #tpu.dot_dimension_numbers<[1], [0], [0], [1], [0, 0, 1, 1], [], []>, transpose_lhs_hint = false} : vector<4096x64xf32>, vector<64x128xf32>, vector<4096x128xf32> -> vector<4096x128xf32>
    %reshape3A_25 = vector.shape_cast %dot_general3A_24 : vector<4096x128xf32> to vector<512x8x128xf32>
    %reduce_max3A_26 = arith.constant dense<0xFF800000> : vector<512x128xf32>
    %reduce_max3A_27 = vector.multi_reduction <maximumf>, %reshape3A_25, %reduce_max3A_26 [1] : vector<512x8x128xf32> to vector<512x128xf32>
    %max3A_28 = arith.maximumf %reduce_max3A_14, %reduce_max3A_27 : vector<512x128xf32>
    %transpose3A = tpu.transpose %max3A_28, [1, 0] : vector<512x128xf32> -> vector<128x512xf32>
    %get3A_29 = arith.constant 0 : index
    %get3A_30 = arith.constant 0 : index
    %get3A_31 = vector.load %arg5[%get3A_29, %get3A_30] : memref<128x1xf32, #tpu.memory_space<vmem>>, vector<128x1xf32>
    %add3A_32 = vector.broadcast %get3A_31 : vector<128x1xf32> to vector<128x512xf32>
    %add3A_33 = arith.addf %transpose3A, %add3A_32 : vector<128x512xf32>
    %swap3A = arith.constant 0 : index
    %swap3A_34 = arith.constant 0 : index
    %swap3A_35 = arith.constant 0 : index
    %swap3A_36 = vector.load %arg6[%swap3A, %swap3A_34, %swap3A_35] : memref<1x128x512xf32, #tpu.memory_space<vmem>>, vector<1x128x512xf32>
    %swap3A_37 = vector.shape_cast %swap3A_36 : vector<1x128x512xf32> to vector<128x512xf32>
    %swap3A_38 = vector.shape_cast %add3A_33 : vector<128x512xf32> to vector<1x128x512xf32>
    tpu.vector_store %arg6[%swap3A, %swap3A_34, %swap3A_35], %swap3A_38 {strides = array<i32>} : memref<1x128x512xf32, #tpu.memory_space<vmem>>, vector<1x128x512xf32>,
    return
  }
  func.func @transform_0(%arg0: i32, %arg1: i32) -> (i32, i32) {
    %mul3A = arith.constant 8 : i32
    %mul3A_0 = arith.muli %arg0, %mul3A : i32
    %add3A = arith.addi %mul3A_0, %arg1 : i32
    %c0_i32 = arith.constant 0 : i32
    %c0_i32_1 = arith.constant 0 : i32
    return %add3A, %c0_i32 : i32, i32
  }
  func.func @transform_1(%arg0: i32, %arg1: i32) -> (i32, i32) {
    %mul3A = arith.constant 8 : i32
    %mul3A_0 = arith.muli %arg0, %mul3A : i32
    %add3A = arith.addi %mul3A_0, %arg1 : i32
    %c0_i32 = arith.constant 0 : i32
    %c0_i32_1 = arith.constant 0 : i32
    return %add3A, %c0_i32 : i32, i32
  }
  func.func @transform_2(%arg0: i32, %arg1: i32) -> (i32, i32) {
    %c0_i32 = arith.constant 0 : i32
    %c0_i32_0 = arith.constant 0 : i32
    %c0_i32_1 = arith.constant 0 : i32
    return %c0_i32, %c0_i32_0 : i32, i32
  }
  func.func @transform_3(%arg0: i32, %arg1: i32) -> (i32, i32) {
    %c0_i32 = arith.constant 0 : i32
    %c0_i32_0 = arith.constant 0 : i32
    %c0_i32_1 = arith.constant 0 : i32
    return %c0_i32, %c0_i32_0 : i32, i32
  }
  func.func @transform_4(%arg0: i32, %arg1: i32) -> (i32, i32, i32) {
    %c0_i32 = arith.constant 0 : i32
    %c0_i32_0 = arith.constant 0 : i32
    return %arg0, %c0_i32, %arg1 : i32, i32, i32
  }
}

</mosaic_0001>

<sc_bundles>
// kernel: kernel.5.cloned.1.call-start
scs
__scs_entry_jumppad:
0x0: {  	(pc) =	sbr.rel $0x88, $3  }
0x1: {  	(tag) =	ssettag $0x0;
	lr =	simm.s32 $0x1  }
0x2: {  	[smem:$0x3F9C] =	sst lr;
	_ =	strace $0xD0000000  }
0x3: {  	_ = 	snop  }
0x4: {  	_ = 	snop  }
0x5: {  	_ = 	snop  }
0x6: {  	_ = 	snop  }
0x7: {  	_ = 	snop  }
__scs_overlays_trampoline_lowered:
0x8: {  	[smem:$0x3FAB] =	sst s0  }
0x9: {  	[smem:$0x3FAC] =	sst s1  }
0xa: {  	[smem:$0x3FAD] =	sst s2  }
0xb: {  	[smem:$0x3FAE] =	sst s3  }
0xc: {  	[smem:$0x3FAF] =	sst s4  }
0xd: {  	[smem:$0x3FB0] =	sst s5  }
0xe: {  	[smem:$0x3FB1] =	sst s6  }
0xf: {  	[smem:$0x3FB2] =	sst s7  }
0x10: {  	[smem:$0x3FB3] =	sst s8  }
0x11: {  	[smem:$0x3FB4] =	sst s9;
	s0 =	simm.s32 @!p0 $0x0  }
0x12: {  	s1 =	sld [smem:$0x3F9A];
	s0 =	simm.s32 @p0 $0x1  }
0x13: {  	[smem:$0x3FB5] =	sst s0;
	s0 =	simm.s32 @!p1 $0x0  }
0x14: {  	s2 =	sld [smem:$0x3F99];
	s0 =	simm.s32 @p1 $0x1  }
0x15: {  	[smem:$0x3FB6] =	sst s0;
	s0 =	simm.s32 @!p2 $0x0  }
0x16: {  	s3 =	sld [smem:$0x3FDB];
	s0 =	simm.s32 @p2 $0x1  }
0x17: {  	s4 =	simm.s32 $0x1BF5;
	[smem:$0x3FB8] =	sst s0  }
0x18: {  	s0 =	sld [smem:$0x3F9B];
	_ =	swait.ge [sflag:s4], $0x0  }
0x19: {  	s7 =	sld [smem:$0x3F9C]  }
0x1a: {  	s8 =	sadd.s32 $0xFFFFE003, lr  }
0x1b: {  	s9 =	sadd.s32 $0xFFFFFEF7, lr;
	s5 =	simm.s32 $0xFFFFFFFF;
	p2 =	slt.u32 s8, $0xFFFFF086  }
0x1c: {  	p1 =	slt.u32 s9, $0xF7A;
	s5 =	simm.s32 @!p2 $0x0  }
0x1d: {  	s5 =	simm.s32 @p1 $0x1;
	p0 =	seq.s32 s7, s2  }
0x1e: {  	s7 =	smul.u32 @!p0 $0xF7A, s2;
	p2 =	seq.s32 @!p0 s5, $0x0  }
0x1f: {  	s9 =	smul.u32 $0xF7A, s1;
	s8 =	simm.s32 @!p0 $0x1BF5;
	p2 =	por !p2, p0  }
0x20: {  	[sflag:s8] =	ssyncset.s32 @!p0 $0xFFFFF086;
	s6 =	sadd.s32 @!p0 s3, s7;
	s7 =	simm.s32 @!p0 $0x108  }
0x21: {  	s3 =	sadd.s32 s3, s9;
	s6 =	sadd.s32 @!p0 $0x88, s6;
	s7 =	simm.s32 @p2 $0x1082  }
0x22: {  	[simem:s7], [sflag:s8] =	dma.local @!p0 [hbm:s6], $0xF7A  }
0x23: {  	s9 =	sor.u32 $0xD0000000, s2;
	s6 =	simm.s32 $0x108;
	_ =	swait.ge @!p0 [sflag:s8], $0x0  }
0x24: {  	s3 =	sadd.s32 $0x88, s3;
	s6 =	simm.s32 @!p1 $0x1082;
	[sflag:s4] =	ssyncset.s32 $0xFFFFF086  }
0x25: {  	[simem:s6], [sflag:s4] =	dma.local [hbm:s3], $0xF7A  }
0x26: {  	[smem:$0x3F9C] =	sst s1;
	(tag) =	ssettag s2;
	_ =	strace s9  }
0x27: {  	s1 =	sld [smem:$0x3FAC]  }
0x28: {  	s2 =	sld [smem:$0x3FAD]  }
0x29: {  	s4 =	sld [smem:$0x3FAF]  }
0x2a: {  	p0 =	seq.s32 s5, $0x0;
	s5 =	sld [smem:$0x3FB0]  }
0x2b: {  	s6 =	sld [smem:$0x3FB1]  }
0x2c: {  	s7 =	sld [smem:$0x3FB2]  }
0x2d: {  	s3 =	simm.s32 $0x108;
	s8 =	sld [smem:$0x3FB3]  }
0x2e: {  	s3 =	simm.s32 @!p0 $0x1082;
	s9 =	sld [smem:$0x3FB4]  }
0x2f: {  	lr =	sadd.s32 s0, s3;
	s0 =	sld [smem:$0x3FAB]  }
0x30: {  	s3 =	sld [smem:$0x3FAE]  }
0x31: {  	[smem:$0x3FB7] =	sst s10  }
0x32: {  	s10 =	sld [smem:$0x3FB5];
	_ =	sdelay $0x3  }
0x33: {  	p0 =	seq.s32 s10, $0x1;
	s10 =	sld [smem:$0x3FB7];
	_ =	sdelay $0x3  }
0x34: {  	[smem:$0x3FB7] =	sst s10  }
0x35: {  	s10 =	sld [smem:$0x3FB6];
	_ =	sdelay $0x3  }
0x36: {  	p1 =	seq.s32 s10, $0x1;
	s10 =	sld [smem:$0x3FB7];
	_ =	sdelay $0x3  }
0x37: {  	[smem:$0x3FB7] =	sst s10  }
0x38: {  	s10 =	sld [smem:$0x3FB8]  }
0x39: {  	_ = 	snop;
	(pc) =	sbr.ind lr, $3  }
0x3a: {  	_ = 	snop  }
0x3b: {  	_ = 	snop  }
0x3c: {  	p2 =	seq.s32 s10, $0x1;
	s10 =	sld [smem:$0x3FB7]  }
0x3d: {  	_ =	shalt  }
0x3e: {  	_ =	shalt  }
0x3f: {  	_ =	shalt  }
0x40: {  	_ =	shalt  }
0x41: {  	_ =	shalt  }
0x42: {  	_ =	shalt  }
0x43: {  	_ =	shalt  }
0x44: {  	_ =	shalt  }
0x45: {  	_ =	shalt  }
0x46: {  	_ =	shalt  }
0x47: {  	_ =	shalt  }
0x48: {  	_ =	shalt  }
0x49: {  	_ =	shalt  }
0x4a: {  	_ =	shalt  }
0x4b: {  	_ =	shalt  }
0x4c: {  	_ =	shalt  }
0x4d: {  	_ =	shalt  }
0x4e: {  	_ =	shalt  }
0x4f: {  	_ =	shalt  }
0x50: {  	_ =	shalt  }
0x51: {  	_ =	shalt  }
0x52: {  	_ =	shalt  }
0x53: {  	_ =	shalt  }
0x54: {  	_ =	shalt  }
0x55: {  	_ =	shalt  }
0x56: {  	_ =	shalt  }
0x57: {  	_ =	shalt  }
0x58: {  	_ =	shalt  }
0x59: {  	_ =	shalt  }
0x5a: {  	_ =	shalt  }
0x5b: {  	_ =	shalt  }
0x5c: {  	_ =	shalt  }
0x5d: {  	_ =	shalt  }
0x5e: {  	_ =	shalt  }
0x5f: {  	_ =	shalt  }
0x60: {  	_ =	shalt  }
0x61: {  	_ =	shalt  }
0x62: {  	_ =	shalt  }
0x63: {  	_ =	shalt  }
0x64: {  	_ =	shalt  }
0x65: {  	_ =	shalt  }
0x66: {  	_ =	shalt  }
0x67: {  	_ =	shalt  }
0x68: {  	_ =	shalt  }
0x69: {  	_ =	shalt  }
0x6a: {  	_ =	shalt  }
0x6b: {  	_ =	shalt  }
0x6c: {  	_ =	shalt  }
0x6d: {  	_ =	shalt  }
0x6e: {  	_ =	shalt  }
0x6f: {  	_ =	shalt  }
0x70: {  	_ =	shalt  }
0x71: {  	_ =	shalt  }
0x72: {  	_ =	shalt  }
0x73: {  	_ =	shalt  }
0x74: {  	_ =	shalt  }
0x75: {  	_ =	shalt  }
0x76: {  	_ =	shalt  }
0x77: {  	_ =	shalt  }
0x78: {  	_ =	shalt  }
0x79: {  	_ =	shalt  }
0x7a: {  	_ =	shalt  }
0x7b: {  	_ =	shalt  }
0x7c: {  	_ =	shalt  }
0x7d: {  	_ =	shalt  }
0x7e: {  	_ =	shalt  }
0x7f: {  	_ =	shalt  }
0x80: {  	_ =	shalt  }
0x81: {  	_ =	shalt  }
0x82: {  	_ =	shalt  }
0x83: {  	_ =	shalt  }
0x84: {  	_ =	shalt  }
0x85: {  	_ =	shalt  }
0x86: {  	_ =	shalt  }
0x87: {  	_ =	shalt  }
.Lfunc_end0:
.L_simem_size_0:
called_computation_lowered:
.L_overlay_start_0:
0x88: {  	s2 =	sld [smem:$0x3FD9]  }
0x89: {  	s3 =	sld [smem:$0x3FFE];
	_ =	sdelay $0x1  }
0x8a: {  	s1 =	srdreg.scid  }
0x8b: {  	s0 =	sand.u32 $0x1, s1  }
0x8c: {  	s16 =	sshll.u32 s0, $0xA;
	s2 =	sadd.s32 s3, s2  }
0x8d: {  	s2 =	sadd.s32 s2, s16  }
0x8e: {  	[smem:$0x3FC3] =	sst s2  }
0x8f: {  	_ = 	snop  }
0x90: {  	(tm) =	ssettm $0x1  }
0x91: {  	s17 =	sld [smem:$0x3FFB];
	_ =	sdelay $0x3  }
0x92: {  	_ =	strace s17  }
0x93: {  	s2 =	sld [smem:$0x3FFC];
	_ =	sdelay $0x3  }
0x94: {  	_ =	strace s2  }
0x95: {  	s2 =	sld [smem:$0x3FFD];
	_ =	sdelay $0x3  }
0x96: {  	_ =	strace s2  }
0x97: {  	_ =	strace $0x8FFFFFFF  }
0x98: {  	s18 =	sld [smem:$0x3FDB];
	_ =	sdelay $0x1  }
0x99: {  	s19 =	simm.s32 $_scs_section_size  }
0x9a: {  	s4 =	simm.s32 $_size__tile_overlayer_lowered;
	s5 =	simm.s32 $_tile_overlayer_lowered  }
0x9b: {  	s22 =	simm.s32 $0x1BFF;
	s21 =	sshll.u32 s5, $0x1;
	s2 =	sadd.s32 s19, s18  }
0x9c: {  	s6 =	simm.s32 $0x0;
	s20 =	sshll.u32 s4, $0x1;
	s4 =	sadd.s32 s21, s2  }
0x9d: {  	[timem:s6], [sflag:s22] =	dma.local [hbm:s4], s20  }
0x9e: {  	_ =	swait.ge [sflag:s22], s20  }
0x9f: {  	s3 =	ssub.s32 $0x0, s20;
	[sflag:s22] =	ssyncset.done $0x0  }
0xa0: {  	[sflag:s22] =	ssyncadd.s32 s3;
	_ =	sdelay $0x1  }
0xa1: {  	s23 =	simm.s32 $0x1B8B  }
0xa2: {  	_ =	swait.ge [sflag:s23], $0x1  }
0xa3: {  	[sflag:s23] =	ssyncset.done $0x0  }
0xa4: {  	s25 =	simm.s32 $0x1B8E;
	s24 =	sld [smem:$0x3FFE];
	[sflag:s23] =	ssyncadd.s32 $0xFFFFFFFF  }
0xa5: {  	s26 =	simm.s32 $execute0_lowered;
	[smem:$0x3FD2] =	sst s25  }
0xa6: {  	s4 =	sshll.u32 s26, $0x1;
	_ =	strace $0x80000046;
	[dreg:$0x1] =	wrdreg $0xFFFFFFFF  }
0xa7: {  	s28 =	simm.s32 $_size_execute0_lowered;
	s2 =	sadd.s32 s2, s4;
	[dreg:$0x0] =	wrdreg $0x0  }
0xa8: {  	s4 =	sshll.u32 s28, $0x1;
	[dreg:$0x2] =	wrdreg s2  }
0xa9: {  	[dreg:$0x3] =	wrdreg s4  }
0xaa: {  	[dreg:$0x4] =	wrdreg $0xC0  }
0xab: {  	_ =	task [dreg:s6], $0x5FFFF  }
0xac: {  	[dreg:$0x1] =	wrdreg $0xFFFFFFFF  }
0xad: {  	[dreg:$0x0] =	wrdreg $0x60  }
0xae: {  	[dreg:$0x2] =	wrdreg s24  }
0xaf: {  	[dreg:$0x3] =	wrdreg $0x9  }
0xb0: {  	_ =	task.clear_ibuf [dreg:s6], $0x4FFFF;
	_ =	strace $0x90000046  }
0xb1: {  	s29 =	simm.s32 $0x9;
	_ =	strace $0x80000048  }
0xb2: {  	_ =	swait.ge [sflag:s29], $0x1  }
0xb3: {  	[sflag:s29] =	ssyncadd.s32 $0xFFFFFFFF  }
0xb4: {  	_ =	strace $0x90000048  }
0xb5: {  	_ =	sfence  }
0xb6: {  	s30 =	sld [smem:$0x0];
	_ =	sdelay $0x2  }
0xb7: {  	s31 =	sshll.u32 s1, $0xD;
	s1 =	sshrl.u32 s1, $0x2  }
0xb8: {  	s3 =	sand.u32 $0x4000, s31;
	s1 =	sadd.s32 s1, s30  }
0xb9: {  	s0 =	sor.u32 s3, s0;
	s1 =	sshll.u32 s1, $0x11  }
0xba: {  	s0 =	sor.u32 s1, s0  }
0xbb: {  	s0 =	sadd.s32 $0x8F2B, s0  }
0xbc: {  	[sflag:s0] =	ssyncadd.remote.s32 $0x1  }
0xbd: {  	_ =	sfence.sel $0xFFFF  }
0xbe: {  	[dreg:$0x0] =	wrdreg $0xFFFFFFFF;
	(pc) =	sbr.abs _section_cstart, $3  }
0xbf: {  	[dreg:$0x1] =	wrdreg $0xFFFFFFFF  }
0xc0: {  	_ =	task.clear_ibuf [dreg:s6], $0x2FFFF;
	_ =	strace $0x9FFFFFFF  }
0xc1: {  	(tm) =	ssettm $0x7FFFFFFF  }
tec
execute0_lowered:
.L_overlay_start_1:
0x0: {  	(tag) =	ssettag $0x1  }
0x1: {  	s4 =	rddreg [dreg:$0x0];
	s2 =	srdreg.scid  }
0x2: {  	s0 =	rddreg [dreg:$0x1];
	s1 =	stileid.u32  }
0x3: {  	s13 =	simm.s32 $0x2000;
	s14 =	simm.s32 $0x4000;
	s15 =	simm.s32 $0x100  }
0x4: {  	s16 =	simm.s32 $0x6000;
	s17 =	simm.s32 $0x180;
	s18 =	simm.s32 $0x8000  }
0x5: {  	s19 =	simm.s32 $0x1;
	s20 =	simm.s32 $0x2;
	s21 =	simm.s32 $0x3  }
0x6: {  	s22 =	simm.s32 $0x4;
	s23 =	simm.s32 $0x0;
	s9 =	sand.u32 $0x1, s2  }
0x7: {  	s2 =	simm.s32 $0x0;
	s3 =	sshll.u32 s1, $0xE;
	s10 =	sadd.s32 $0x29600, s4  }
0x8: {  	s12 =	sshll.u32 s1, $0x11;
	s5 =	sshll.u32 s9, $0xD;
	[smem:$0x7FF] =	sst s2  }
0x9: {  	s7 =	ssub.s32 $0x2, s9;
	s31 =	sshll.u32 s9, $0x10;
	s5 =	sor.u32 s5, s3  }
0xa: {  	_ =	strace $0x80000047;
	s3 =	sadd.s32 $0x1600, s4;
	s8 =	sshrl.u32 s7, $0x1  }
0xb: {  	s6 =	sshrl.u32 s5, $0x3;
	s7 =	ssub.s32 s7, s8;
	s5 =	sshll.u32 s5, $0x3  }
0xc: {  	s6 =	sadd.s32 s6, s4;
	s11 =	sadd.s32 s10, s5;
	s5 =	smax.u32 s7, $0x1  }
0xd: {  	s10 =	sadd.s32 s12, s10;
	s12 =	simm.s32 $0x80;
	s4 =	sadd.s32 $0x21600, s6  }
0xe: {  	s6 =	sadd.s32 $0xF000, s11;
	s7 =	sadd.s32 $0xF400, s11;
	s8 =	sadd.s32 $0xF800, s11  }
0xf: {  	s9 =	sadd.s32 $0xFC00, s11;
	s10 =	sadd.s32 s31, s10;
	s11 =	simm.s32 $0x5  }
.LBB2_1:
0x10: {  	[tilespmem:s2], [sflag:$0x5] =	stream.linear.gather [hbm4b:s4+s2], $0x2000, $0x38;
	[tilespmem:$0xA000] =	vst v63  }
0x11: {  	_ =	swait.ge [sflag:s11], $0x2000  }
0x12: {  	[sflag:s11] =	ssyncset.done $0x0  }
0x13: {  	[sflag:s11] =	ssyncadd.s32 $0xFFFFE000  }
0x14: {  	[tilespmem:s13], [sflag:$0x1] =	stream.indirect.gather [hbm4b:s3+s12], $0x40, s2, s12, $0xb8;
	[tilespmem:$0xA000] =	vst v63  }
0x15: {  	_ = 	snop  }
0x16: {  	[tilespmem:s14], [sflag:$0x2] =	stream.indirect.gather [hbm4b:s3+s12], $0x40, s12, s12, $0xb8;
	[tilespmem:$0xA000] =	vst v63  }
0x17: {  	_ = 	snop  }
0x18: {  	[tilespmem:s16], [sflag:$0x3] =	stream.indirect.gather [hbm4b:s3+s12], $0x40, s15, s12, $0xb8;
	[tilespmem:$0xA000] =	vst v63  }
0x19: {  	_ = 	snop  }
0x1a: {  	[tilespmem:s18], [sflag:$0x4] =	stream.indirect.gather [hbm4b:s3+s12], $0x40, s17, s12, $0xb8;
	[tilespmem:$0xA000] =	vst v63  }
0x1b: {  	_ =	swait.ge [sflag:s19], $0x2000  }
0x1c: {  	[sflag:s19] =	ssyncset.done $0x0  }
0x1d: {  	s24 =	sadd.s32 $0x0, s10;
	[sflag:s19] =	ssyncadd.s32 $0xFFFFE000  }
0x1e: {  	[hbm4b:s24+s2] =	stream.linear.scatter [tilespmem:s13], [sflag:$0x5], $0x2000, $0x38;
	[tilespmem:$0xA000] =	vst v63  }
0x1f: {  	_ =	swait.ge [sflag:s11], $0x2000  }
0x20: {  	[sflag:s11] =	ssyncset.done $0x0  }
0x21: {  	s25 =	simm.s32 $0x200;
	[sflag:s11] =	ssyncadd.s32 $0xFFFFE000  }
0x22: {  	[tilespmem:s13], [sflag:$0x1] =	stream.indirect.gather [hbm4b:s3+s12], $0x40, s25, s12, $0xb8;
	[tilespmem:$0xA000] =	vst v63  }
0x23: {  	_ =	swait.ge [sflag:s20], $0x2000  }
0x24: {  	[sflag:s20] =	ssyncset.done $0x0  }
0x25: {  	s28 =	sadd.s32 $0x400, s24;
	[sflag:s20] =	ssyncadd.s32 $0xFFFFE000  }
0x26: {  	[hbm4b:s28+s2] =	stream.linear.scatter [tilespmem:s14], [sflag:$0x5], $0x2000, $0x38;
	[tilespmem:$0xA000] =	vst v63  }
0x27: {  	_ =	swait.ge [sflag:s11], $0x2000  }
0x28: {  	[sflag:s11] =	ssyncset.done $0x0  }
0x29: {  	s29 =	simm.s32 $0x280;
	[sflag:s11] =	ssyncadd.s32 $0xFFFFE000  }
0x2a: {  	[tilespmem:s14], [sflag:$0x2] =	stream.indirect.gather [hbm4b:s3+s12], $0x40, s29, s12, $0xb8;
	[tilespmem:$0xA000] =	vst v63  }
0x2b: {  	_ =	swait.ge [sflag:s21], $0x2000  }
0x2c: {  	[sflag:s21] =	ssyncset.done $0x0  }
0x2d: {  	s30 =	sadd.s32 $0x800, s24;
	[sflag:s21] =	ssyncadd.s32 $0xFFFFE000  }
0x2e: {  	[hbm4b:s30+s2] =	stream.linear.scatter [tilespmem:s16], [sflag:$0x5], $0x2000, $0x38;
	[tilespmem:$0xA000] =	vst v63  }
0x2f: {  	_ =	swait.ge [sflag:s11], $0x2000  }
0x30: {  	[sflag:s11] =	ssyncset.done $0x0  }
0x31: {  	s31 =	simm.s32 $0x300;
	[sflag:s11] =	ssyncadd.s32 $0xFFFFE000  }
0x32: {  	[tilespmem:s16], [sflag:$0x3] =	stream.indirect.gather [hbm4b:s3+s12], $0x40, s31, s12, $0xb8;
	[tilespmem:$0xA000] =	vst v63  }
0x33: {  	_ =	swait.ge [sflag:s22], $0x2000  }
0x34: {  	[sflag:s22] =	ssyncset.done $0x0  }
0x35: {  	s24 =	sadd.s32 $0xC00, s24;
	[sflag:s22] =	ssyncadd.s32 $0xFFFFE000  }
0x36: {  	[hbm4b:s24+s2] =	stream.linear.scatter [tilespmem:s18], [sflag:$0x5], $0x2000, $0x38;
	[tilespmem:$0xA000] =	vst v63  }
0x37: {  	_ =	swait.ge [sflag:s11], $0x2000  }
0x38: {  	s26 =	simm.s32 $0x580;
	[sflag:s11] =	ssyncset.done $0x0  }
0x39: {  	s25 =	simm.s32 $0x1000;
	s24 =	simm.s32 $0x380;
	[sflag:s11] =	ssyncadd.s32 $0xFFFFE000  }
.LBB2_2:
0x3a: {  	[tilespmem:s18], [sflag:$0x4] =	stream.indirect.gather [hbm4b:s3+s12], $0x40, s24, s12, $0xb8;
	[tilespmem:$0xA000] =	vst v63  }
0x3b: {  	s28 =	smov.u32 s25;
	s24 =	smov.u32 s26  }
0x3c: {  	p0 =	sne.s32 s25, $0xE000;
	s25 =	sadd.s32 $0x1000, s25;
	_ =	swait.ge [sflag:s19], $0x2000  }
0x3d: {  	[sflag:s19] =	ssyncset.done $0x0  }
0x3e: {  	s28 =	sadd.s32 s28, s10;
	[sflag:s19] =	ssyncadd.s32 $0xFFFFE000  }
0x3f: {  	[hbm4b:s28+s2] =	stream.linear.scatter [tilespmem:s13], [sflag:$0x5], $0x2000, $0x38;
	[tilespmem:$0xA000] =	vst v63  }
0x40: {  	_ =	swait.ge [sflag:s11], $0x2000  }
0x41: {  	[sflag:s11] =	ssyncset.done $0x0  }
0x42: {  	s29 =	sadd.s32 $0xFFFFFE80, s26;
	[sflag:s11] =	ssyncadd.s32 $0xFFFFE000  }
0x43: {  	[tilespmem:s13], [sflag:$0x1] =	stream.indirect.gather [hbm4b:s3+s12], $0x40, s29, s12, $0xb8;
	[tilespmem:$0xA000] =	vst v63  }
0x44: {  	_ =	swait.ge [sflag:s20], $0x2000  }
0x45: {  	[sflag:s20] =	ssyncset.done $0x0  }
0x46: {  	s29 =	sadd.s32 $0x400, s28;
	[sflag:s20] =	ssyncadd.s32 $0xFFFFE000  }
0x47: {  	[hbm4b:s29+s2] =	stream.linear.scatter [tilespmem:s14], [sflag:$0x5], $0x2000, $0x38;
	[tilespmem:$0xA000] =	vst v63  }
0x48: {  	_ =	swait.ge [sflag:s11], $0x2000  }
0x49: {  	[sflag:s11] =	ssyncset.done $0x0  }
0x4a: {  	s29 =	sadd.s32 $0xFFFFFF00, s26;
	[sflag:s11] =	ssyncadd.s32 $0xFFFFE000  }
0x4b: {  	[tilespmem:s14], [sflag:$0x2] =	stream.indirect.gather [hbm4b:s3+s12], $0x40, s29, s12, $0xb8;
	[tilespmem:$0xA000] =	vst v63  }
0x4c: {  	_ =	swait.ge [sflag:s21], $0x2000  }
0x4d: {  	[sflag:s21] =	ssyncset.done $0x0  }
0x4e: {  	s29 =	sadd.s32 $0x800, s28;
	[sflag:s21] =	ssyncadd.s32 $0xFFFFE000  }
0x4f: {  	[hbm4b:s29+s2] =	stream.linear.scatter [tilespmem:s16], [sflag:$0x5], $0x2000, $0x38;
	[tilespmem:$0xA000] =	vst v63  }
0x50: {  	_ =	swait.ge [sflag:s11], $0x2000  }
0x51: {  	[sflag:s11] =	ssyncset.done $0x0  }
0x52: {  	s29 =	sadd.s32 $0xFFFFFF80, s26;
	[sflag:s11] =	ssyncadd.s32 $0xFFFFE000  }
0x53: {  	[tilespmem:s16], [sflag:$0x3] =	stream.indirect.gather [hbm4b:s3+s12], $0x40, s29, s12, $0xb8;
	[tilespmem:$0xA000] =	vst v63  }
0x54: {  	_ =	swait.ge [sflag:s22], $0x2000  }
0x55: {  	[sflag:s22] =	ssyncset.done $0x0  }
.Ltmp0:
0x56: {  	s28 =	sadd.s32 $0xC00, s28;
	[sflag:s22] =	ssyncadd.s32 $0xFFFFE000;
	(pc) =	sbr.rel @p0 .LBB2_2-.Ltmp0, $4  }
0x57: {  	[hbm4b:s28+s2] =	stream.linear.scatter [tilespmem:s18], [sflag:$0x5], $0x2000, $0x38;
	[tilespmem:$0xA000] =	vst v63  }
0x58: {  	_ =	swait.ge [sflag:s11], $0x2000  }
0x59: {  	[sflag:s11] =	ssyncset.done $0x0  }
0x5a: {  	s26 =	sadd.s32 $0x200, s26;
	[sflag:s11] =	ssyncadd.s32 $0xFFFFE000  }
0x5b: {  	[tilespmem:s18], [sflag:$0x4] =	stream.indirect.gather [hbm4b:s3+s12], $0x40, s24, s12, $0xb8;
	[tilespmem:$0xA000] =	vst v63  }
0x5c: {  	_ =	swait.ge [sflag:s19], $0x2000  }
0x5d: {  	[sflag:s19] =	ssyncset.done $0x0  }
0x5e: {  	[sflag:s19] =	ssyncadd.s32 $0xFFFFE000  }
0x5f: {  	[hbm4b:s6+s2] =	stream.linear.scatter [tilespmem:s13], [sflag:$0x5], $0x2000, $0x38;
	[tilespmem:$0xA000] =	vst v63  }
0x60: {  	_ =	swait.ge [sflag:s11], $0x2000  }
0x61: {  	[sflag:s11] =	ssyncset.done $0x0  }
0x62: {  	[sflag:s11] =	ssyncadd.s32 $0xFFFFE000  }
0x63: {  	_ =	swait.ge [sflag:s20], $0x2000  }
0x64: {  	[sflag:s20] =	ssyncset.done $0x0  }
0x65: {  	[sflag:s20] =	ssyncadd.s32 $0xFFFFE000  }
0x66: {  	[hbm4b:s7+s2] =	stream.linear.scatter [tilespmem:s14], [sflag:$0x5], $0x2000, $0x38;
	[tilespmem:$0xA000] =	vst v63  }
0x67: {  	_ =	swait.ge [sflag:s11], $0x2000  }
0x68: {  	[sflag:s11] =	ssyncset.done $0x0  }
0x69: {  	[sflag:s11] =	ssyncadd.s32 $0xFFFFE000  }
0x6a: {  	_ =	swait.ge [sflag:s21], $0x2000  }
0x6b: {  	[sflag:s21] =	ssyncset.done $0x0  }
0x6c: {  	[sflag:s21] =	ssyncadd.s32 $0xFFFFE000  }
0x6d: {  	[hbm4b:s8+s2] =	stream.linear.scatter [tilespmem:s16], [sflag:$0x5], $0x2000, $0x38;
	[tilespmem:$0xA000] =	vst v63  }
0x6e: {  	_ =	swait.ge [sflag:s11], $0x2000  }
0x6f: {  	[sflag:s11] =	ssyncset.done $0x0  }
0x70: {  	[sflag:s11] =	ssyncadd.s32 $0xFFFFE000  }
0x71: {  	s23 =	sadd.s32 $0x1, s23;
	_ =	swait.ge [sflag:s22], $0x2000  }
0x72: {  	p0 =	sne.s32 s23, s5;
	[sflag:s22] =	ssyncset.done $0x0  }
.Ltmp1:
0x73: {  	[sflag:s22] =	ssyncadd.s32 $0xFFFFE000;
	(pc) =	sbr.rel @p0 .LBB2_1-.Ltmp1, $4  }
0x74: {  	[hbm4b:s9+s2] =	stream.linear.scatter [tilespmem:s18], [sflag:$0x5], $0x2000, $0x38;
	[tilespmem:$0xA000] =	vst v63  }
0x75: {  	_ =	swait.ge [sflag:s11], $0x2000  }
0x76: {  	[sflag:s11] =	ssyncset.done $0x0  }
0x77: {  	[sflag:s11] =	ssyncadd.s32 $0xFFFFE000  }
0x78: {  	_ =	sfence.sel $0x180000  }
0x79: {  	[bflag:$0x0] =	sbarrier.arrive $0xFFFF  }
0x7a: {  	p0 =	sne.s32 s1, $0x0;
	_ =	strace $0x90000047  }
0x7b: {  	s0 =	sadd.s32 @!p0 $0x100000, s0;
	[bflag:$0x2] =	sbarrier.arrive $0xFFFF  }
0x7c: {  	[sflag:s0] =	ssyncadd.tile.s32 @!p0 $0x1;
	_ =	shalt  }
.Lfunc_end2:
_tile_overlayer_lowered:
.L_overlay_start_2:
0x7d: {  	(tag) =	ssettag $0x2  }
0x7e: {  	s0 =	rddreg [dreg:$0x0];
	s2 =	stileid.u32  }
0x7f: {  	s1 =	rddreg [dreg:$0x1];
	p0 =	sne.s32 s2, $0x0  }
0x80: {  	s3 =	rddreg [dreg:$0x2];
	[bflag:$0x3] =	sbarrier.arrive $0xFFFF;
	s2 =	simm.s32 @!p0 $0x1C05  }
0x81: {  	[timem:s3], [sflag:s2] =	dma.local @!p0 [hbm:s0], s1  }
0x82: {  	s0 =	simm.s32 @!p0 $0x5  }
0x83: {  	_ =	swait.ge @!p0 [sflag:s0], s1  }
0x84: {  	s1 =	ssub.s32 @!p0 $0x0, s1;
	[sflag:s0] =	ssyncset.done @!p0 $0x0  }
0x85: {  	[sflag:s0] =	ssyncadd.s32 @!p0 s1  }
0x86: {  	[bflag:$0x3] =	sbarrier.arrive $0xFFFF  }
0x87: {  	_ =	shalt  }

</sc_bundles>
